<compile_context>
chip_gen: v7x
topology: tpu7x:2x2x1
jax: 0.10.2.dev20260603
libtpu: 0.0.44.dev20260713+nightly
codegen_flags: <defaults>
</compile_context>

<pallas_src>
import functools

import jax
import jax.numpy as jnp
from jax import lax
from jax.experimental import pallas as pl
from jax.experimental.pallas import tpu as pltpu
from jax.experimental.pallas import tpu_sc as plsc

NUM_OUT = 1024
NUM_WORKERS = 32
CHUNK = 8
HALF_T = 4096
HALF_O = 512
CH_PER_SLAB = 68
N_TASKS = 3 * CH_PER_SLAB * 2
STEPS = 14


def _sc_lane_subsample(x_t):
    c, r, t = x_t.shape
    num = 2 * (t - 1)
    den = 2 * (NUM_OUT - 1)
    hlf = NUM_OUT - 1
    mesh = plsc.VectorSubcoreMesh(core_axis_name="c", subcore_axis_name="s")

    @functools.partial(
        pl.kernel,
        mesh=mesh,
        out_type=jax.ShapeDtypeStruct((c, r, NUM_OUT), x_t.dtype),
        scratch_types=[
            pltpu.VMEM((2, CHUNK, HALF_T), x_t.dtype),
            pltpu.VMEM((2, CHUNK, HALF_O), x_t.dtype),
            pltpu.SemaphoreType.DMA,
            pltpu.SemaphoreType.DMA,
        ],
        compiler_params=pltpu.CompilerParams(needs_layout_passes=False),
    )
    def k(x_hbm, out_hbm, rowbuf, outbuf, isem, osem):
        wid = lax.axis_index("s") * 2 + lax.axis_index("c")
        lane = lax.iota(jnp.int32, 16)

        def task_decode(i):
            tau = jnp.minimum(wid + NUM_WORKERS * i, N_TASKS - 1)
            slab = tau // (2 * CH_PER_SLAB)
            rem = tau % (2 * CH_PER_SLAB)
            pos = rem // 2
            half = rem % 2
            rstart = pl.multiple_of(pos * CHUNK, CHUNK)
            return slab, rstart, half

        def in_copy(i, b):
            ci, ri, hi = task_decode(i)
            return pltpu.make_async_copy(
                x_hbm.at[ci, pl.ds(ri, CHUNK), pl.ds(hi * HALF_T, HALF_T)],
                rowbuf.at[b], isem)

        def out_copy(i, b):
            ci, ri, hi = task_decode(i)
            return pltpu.make_async_copy(
                outbuf.at[b],
                out_hbm.at[ci, pl.ds(ri, CHUNK), pl.ds(hi * HALF_O, HALF_O)],
                osem)

        def gather_chunk(i, b):
            _, _, hi = task_decode(i)
            obase = hi * HALF_O
            pbase = hi * HALF_T

            def body(h, _):
                j = h // (HALF_O // 16)
                g = h % (HALF_O // 16)
                o = lane + g * 16 + obase
                pos = (num * o + hlf) // den - pbase
                jv = jnp.zeros((16,), jnp.int32) + j
                vals = plsc.load_gather(rowbuf.at[b], [jv, pos])
                outbuf[b, j, pl.ds(g * 16, 16)] = vals
                return 0

            lax.fori_loop(0, CHUNK * (HALF_O // 16), body, 0, unroll=4)

        in_copy(0, 0).start()
        in_copy(1, 1).start()

        def step(q, _):
            for b in range(2):
                i = q * 2 + b
                in_copy(i, b).wait()

                @pl.when(q > 0)
                def _():
                    out_copy(i - 2, b).wait()

                gather_chunk(i, b)
                out_copy(i, b).start()

                @pl.when(q < STEPS // 2 - 1)
                def _():
                    in_copy(i + 2, b).start()
            return 0

        lax.fori_loop(0, STEPS // 2, step, 0)
        out_copy(STEPS - 2, 0).wait()
        out_copy(STEPS - 1, 1).wait()

    return k(x_t)


def kernel(landmarks):
    x_t = jnp.transpose(landmarks, (2, 1, 0))
    out_t = _sc_lane_subsample(x_t)
    return jnp.transpose(out_t, (2, 1, 0))

# --- scband reference (transcript-rebuilt; emitter-appended) ---
"""Pipeline reference for scband-uniform-temporal-subsample-42545946034735 (READ-ONLY COPY).

The authoritative reference and input builder live on the scoring server;
editing this copy changes nothing except your own understanding.
"""

import jax, jax.numpy as jnp
import numpy as np

NUM_SAMPLES = 1024


def setup_inputs(seed: int = 0) -> dict:
    key = jax.random.key(seed)
    landmarks = jax.random.normal(key, (8192, 543, 3), dtype=jnp.float32)
    return {"landmarks": landmarks}


def reference(landmarks):
    t = landmarks.shape[0]
    # num_samples != t and the (5, 10) special case does not apply here
    indices = jnp.round(jnp.linspace(0.0, t - 1, NUM_SAMPLES)).astype(jnp.int32)
    return jnp.take(landmarks, indices, axis=0)

if __name__ == "__main__":
    import jax
    _d = setup_inputs()
    print(jax.jit(kernel)(*tuple(_d.values())))

</pallas_src>

<mosaic_0001>
#map = affine_map<(d0, d1) -> (0, 0, 0)>
module attributes {stable_mosaic.version = 14 : i64} {
  func.func @k(%arg0: i32, %arg1: i32, %arg2: memref<3x543x8192xf32, #tpu.memory_space<hbm>>, %arg3: memref<3x543x1024xf32, #tpu.memory_space<hbm>>, %arg4: memref<2x8x4096xf32, #tpu.memory_space<vmem>>, %arg5: memref<2x8x512xf32, #tpu.memory_space<vmem>>, %arg6: memref<!tpu.dma_semaphore, #tpu.memory_space<semaphore_mem>>, %arg7: memref<!tpu.dma_semaphore, #tpu.memory_space<semaphore_mem>>) attributes {dimension_semantics = [#tpu.dimension_semantics<core_parallel>, #tpu.dimension_semantics<subcore_parallel>], iteration_bounds = array<i64: 2, 16>, scalar_prefetch = 0 : i64, scratch_operands = 4 : i64, tpu.core_type = #tpu.core_type<sc_vector_subcore>, window_params = [{transform_indices = #map}, {transform_indices = #map}]} {
    %mul3A = arith.constant 2 : i32
    %mul3A_0 = arith.muli %arg1, %mul3A : i32
    %add3A = arith.addi %mul3A_0, %arg0 : i32
    %iota3A = tpu.iota {dimensions = array<i32: 0>} : vector<16xi32>
    %add3A_1 = arith.constant 0 : i32
    %add3A_2 = arith.addi %add3A, %add3A_1 : i32
    %min3A = arith.constant 407 : i32
    %min3A_3 = arith.minsi %add3A_2, %min3A : i32
    %jit3A = arith.constant 136 : i32
    %div3A = arith.divsi %min3A_3, %jit3A : i32
    %sign3A = arith.constant 0 : i32
    %sign3A_4 = arith.cmpi sgt, %min3A_3, %sign3A : i32
    %sign3A_5 = arith.extui %sign3A_4 : i1 to i32
    %sign3A_6 = arith.constant 0 : i32
    %sign3A_7 = arith.cmpi slt, %min3A_3, %sign3A_6 : i32
    %sign3A_8 = arith.extui %sign3A_7 : i1 to i32
    %sign3A_9 = arith.subi %sign3A_5, %sign3A_8 : i32
    %sign3A_10 = arith.constant 0 : i32
    %sign3A_11 = arith.cmpi sgt, %jit3A, %sign3A_10 : i32
    %sign3A_12 = arith.extui %sign3A_11 : i1 to i32
    %sign3A_13 = arith.constant 0 : i32
    %sign3A_14 = arith.cmpi slt, %jit3A, %sign3A_13 : i32
    %sign3A_15 = arith.extui %sign3A_14 : i1 to i32
    %sign3A_16 = arith.subi %sign3A_12, %sign3A_15 : i32
    %ne3A = arith.cmpi ne, %sign3A_9, %sign3A_16 : i32
    %rem3A = arith.remsi %min3A_3, %jit3A : i32
    %ne3A_17 = arith.constant 0 : i32
    %ne3A_18 = arith.cmpi ne, %rem3A, %ne3A_17 : i32
    %and3A = arith.andi %ne3A, %ne3A_18 : i1
    %sub3A = arith.constant 1 : i32
    %sub3A_19 = arith.subi %div3A, %sub3A : i32
    %select_n3A = arith.select %and3A, %sub3A_19, %div3A : i32
    %jit3A_20 = arith.constant 136 : i32
    %eq3A = arith.constant 0 : i32
    %eq3A_21 = arith.cmpi eq, %jit3A_20, %eq3A : i32
    %jit3A_22 = arith.constant 1 : i32
    %select_n3A_23 = arith.select %eq3A_21, %jit3A_22, %jit3A_20 : i32
    %rem3A_24 = arith.remsi %min3A_3, %select_n3A_23 : i32
    %ne3A_25 = arith.constant 0 : i32
    %ne3A_26 = arith.cmpi ne, %rem3A_24, %ne3A_25 : i32
    %lt3A = arith.constant 0 : i32
    %lt3A_27 = arith.cmpi slt, %rem3A_24, %lt3A : i32
    %lt3A_28 = arith.constant 0 : i32
    %lt3A_29 = arith.cmpi slt, %select_n3A_23, %lt3A_28 : i32
    %ne3A_30 = arith.xori %lt3A_27, %lt3A_29 : i1
    %and3A_31 = arith.andi %ne3A_30, %ne3A_26 : i1
    %add3A_32 = arith.addi %rem3A_24, %select_n3A_23 : i32
    %select_n3A_33 = arith.select %and3A_31, %add3A_32, %rem3A_24 : i32
    %jit3A_34 = arith.constant 2 : i32
    %div3A_35 = arith.divsi %select_n3A_33, %jit3A_34 : i32
    %sign3A_36 = arith.constant 0 : i32
    %sign3A_37 = arith.cmpi sgt, %select_n3A_33, %sign3A_36 : i32
    %sign3A_38 = arith.extui %sign3A_37 : i1 to i32
    %sign3A_39 = arith.constant 0 : i32
    %sign3A_40 = arith.cmpi slt, %select_n3A_33, %sign3A_39 : i32
    %sign3A_41 = arith.extui %sign3A_40 : i1 to i32
    %sign3A_42 = arith.subi %sign3A_38, %sign3A_41 : i32
    %sign3A_43 = arith.constant 0 : i32
    %sign3A_44 = arith.cmpi sgt, %jit3A_34, %sign3A_43 : i32
    %sign3A_45 = arith.extui %sign3A_44 : i1 to i32
    %sign3A_46 = arith.constant 0 : i32
    %sign3A_47 = arith.cmpi slt, %jit3A_34, %sign3A_46 : i32
    %sign3A_48 = arith.extui %sign3A_47 : i1 to i32
    %sign3A_49 = arith.subi %sign3A_45, %sign3A_48 : i32
    %ne3A_50 = arith.cmpi ne, %sign3A_42, %sign3A_49 : i32
    %rem3A_51 = arith.remsi %select_n3A_33, %jit3A_34 : i32
    %ne3A_52 = arith.constant 0 : i32
    %ne3A_53 = arith.cmpi ne, %rem3A_51, %ne3A_52 : i32
    %and3A_54 = arith.andi %ne3A_50, %ne3A_53 : i1
    %sub3A_55 = arith.constant 1 : i32
    %sub3A_56 = arith.subi %div3A_35, %sub3A_55 : i32
    %select_n3A_57 = arith.select %and3A_54, %sub3A_56, %div3A_35 : i32
    %jit3A_58 = arith.constant 2 : i32
    %eq3A_59 = arith.constant 0 : i32
    %eq3A_60 = arith.cmpi eq, %jit3A_58, %eq3A_59 : i32
    %jit3A_61 = arith.constant 1 : i32
    %select_n3A_62 = arith.select %eq3A_60, %jit3A_61, %jit3A_58 : i32
    %rem3A_63 = arith.remsi %select_n3A_33, %select_n3A_62 : i32
    %ne3A_64 = arith.constant 0 : i32
    %ne3A_65 = arith.cmpi ne, %rem3A_63, %ne3A_64 : i32
    %lt3A_66 = arith.constant 0 : i32
    %lt3A_67 = arith.cmpi slt, %rem3A_63, %lt3A_66 : i32
    %lt3A_68 = arith.constant 0 : i32
    %lt3A_69 = arith.cmpi slt, %select_n3A_62, %lt3A_68 : i32
    %ne3A_70 = arith.xori %lt3A_67, %lt3A_69 : i1
    %and3A_71 = arith.andi %ne3A_70, %ne3A_65 : i1
    %add3A_72 = arith.addi %rem3A_63, %select_n3A_62 : i32
    %select_n3A_73 = arith.select %and3A_71, %add3A_72, %rem3A_63 : i32
    %mul3A_74 = arith.constant 8 : i32
    %mul3A_75 = arith.muli %select_n3A_57, %mul3A_74 : i32
    %multiple_of3A = tpu.assume_multiple %mul3A_75, 8 : i32
    %mul3A_76 = arith.constant 4096 : i32
    %mul3A_77 = arith.muli %select_n3A_73, %mul3A_76 : i32
    %dma_start3A = arith.constant 0 : i32
    %dma_start3A_78 = arith.constant 0 : i32
    %dma_start3A_79 = arith.constant 0 : i32
    %dma_start3A_80 = tpu.memref_slice %arg4[%dma_start3A, %dma_start3A_78, %dma_start3A_79] : memref<2x8x4096xf32, #tpu.memory_space<vmem>> -> memref<1x8x4096xf32, #tpu.memory_space<vmem>>
    %dma_start3A_81 = tpu.memref_squeeze %dma_start3A_80 : memref<1x8x4096xf32, #tpu.memory_space<vmem>> -> memref<8x4096xf32, #tpu.memory_space<vmem>>
    %dma_start3A_82 = tpu.memref_slice %arg2[%select_n3A, %multiple_of3A, %mul3A_77] : memref<3x543x8192xf32, #tpu.memory_space<hbm>> -> memref<1x8x4096xf32, #tpu.memory_space<hbm>>
    %dma_start3A_83 = tpu.memref_squeeze %dma_start3A_82 : memref<1x8x4096xf32, #tpu.memory_space<hbm>> -> memref<8x4096xf32, #tpu.memory_space<hbm>>
    %dma_start3A_84 = arith.constant 0 : i32
    %dma_start3A_85 = arith.constant 0 : i32
    %dma_start3A_86 = tpu.memref_slice %arg4[%dma_start3A, %dma_start3A_84, %dma_start3A_85] : memref<2x8x4096xf32, #tpu.memory_space<vmem>> -> memref<1x8x4096xf32, #tpu.memory_space<vmem>>
    %dma_start3A_87 = tpu.memref_squeeze %dma_start3A_86 : memref<1x8x4096xf32, #tpu.memory_space<vmem>> -> memref<8x4096xf32, #tpu.memory_space<vmem>>
    %dma_start3A_88 = tpu.memref_slice %arg2[%select_n3A, %multiple_of3A, %mul3A_77] : memref<3x543x8192xf32, #tpu.memory_space<hbm>> -> memref<1x8x4096xf32, #tpu.memory_space<hbm>>
    %dma_start3A_89 = tpu.memref_squeeze %dma_start3A_88 : memref<1x8x4096xf32, #tpu.memory_space<hbm>> -> memref<8x4096xf32, #tpu.memory_space<hbm>>
    tpu.enqueue_dma source(%dma_start3A_89 : memref<8x4096xf32, #tpu.memory_space<hbm>>) target(%dma_start3A_87 : memref<8x4096xf32, #tpu.memory_space<vmem>>) target_semaphore(%arg6 : memref<!tpu.dma_semaphore, #tpu.memory_space<semaphore_mem>>)
    %add3A_90 = arith.constant 32 : i32
    %add3A_91 = arith.addi %add3A, %add3A_90 : i32
    %min3A_92 = arith.constant 407 : i32
    %min3A_93 = arith.minsi %add3A_91, %min3A_92 : i32
    %jit3A_94 = arith.constant 136 : i32
    %div3A_95 = arith.divsi %min3A_93, %jit3A_94 : i32
    %sign3A_96 = arith.constant 0 : i32
    %sign3A_97 = arith.cmpi sgt, %min3A_93, %sign3A_96 : i32
    %sign3A_98 = arith.extui %sign3A_97 : i1 to i32
    %sign3A_99 = arith.constant 0 : i32
    %sign3A_100 = arith.cmpi slt, %min3A_93, %sign3A_99 : i32
    %sign3A_101 = arith.extui %sign3A_100 : i1 to i32
    %sign3A_102 = arith.subi %sign3A_98, %sign3A_101 : i32
    %sign3A_103 = arith.constant 0 : i32
    %sign3A_104 = arith.cmpi sgt, %jit3A_94, %sign3A_103 : i32
    %sign3A_105 = arith.extui %sign3A_104 : i1 to i32
    %sign3A_106 = arith.constant 0 : i32
    %sign3A_107 = arith.cmpi slt, %jit3A_94, %sign3A_106 : i32
    %sign3A_108 = arith.extui %sign3A_107 : i1 to i32
    %sign3A_109 = arith.subi %sign3A_105, %sign3A_108 : i32
    %ne3A_110 = arith.cmpi ne, %sign3A_102, %sign3A_109 : i32
    %rem3A_111 = arith.remsi %min3A_93, %jit3A_94 : i32
    %ne3A_112 = arith.constant 0 : i32
    %ne3A_113 = arith.cmpi ne, %rem3A_111, %ne3A_112 : i32
    %and3A_114 = arith.andi %ne3A_110, %ne3A_113 : i1
    %sub3A_115 = arith.constant 1 : i32
    %sub3A_116 = arith.subi %div3A_95, %sub3A_115 : i32
    %select_n3A_117 = arith.select %and3A_114, %sub3A_116, %div3A_95 : i32
    %jit3A_118 = arith.constant 136 : i32
    %eq3A_119 = arith.constant 0 : i32
    %eq3A_120 = arith.cmpi eq, %jit3A_118, %eq3A_119 : i32
    %jit3A_121 = arith.constant 1 : i32
    %select_n3A_122 = arith.select %eq3A_120, %jit3A_121, %jit3A_118 : i32
    %rem3A_123 = arith.remsi %min3A_93, %select_n3A_122 : i32
    %ne3A_124 = arith.constant 0 : i32
    %ne3A_125 = arith.cmpi ne, %rem3A_123, %ne3A_124 : i32
    %lt3A_126 = arith.constant 0 : i32
    %lt3A_127 = arith.cmpi slt, %rem3A_123, %lt3A_126 : i32
    %lt3A_128 = arith.constant 0 : i32
    %lt3A_129 = arith.cmpi slt, %select_n3A_122, %lt3A_128 : i32
    %ne3A_130 = arith.xori %lt3A_127, %lt3A_129 : i1
    %and3A_131 = arith.andi %ne3A_130, %ne3A_125 : i1
    %add3A_132 = arith.addi %rem3A_123, %select_n3A_122 : i32
    %select_n3A_133 = arith.select %and3A_131, %add3A_132, %rem3A_123 : i32
    %jit3A_134 = arith.constant 2 : i32
    %div3A_135 = arith.divsi %select_n3A_133, %jit3A_134 : i32
    %sign3A_136 = arith.constant 0 : i32
    %sign3A_137 = arith.cmpi sgt, %select_n3A_133, %sign3A_136 : i32
    %sign3A_138 = arith.extui %sign3A_137 : i1 to i32
    %sign3A_139 = arith.constant 0 : i32
    %sign3A_140 = arith.cmpi slt, %select_n3A_133, %sign3A_139 : i32
    %sign3A_141 = arith.extui %sign3A_140 : i1 to i32
    %sign3A_142 = arith.subi %sign3A_138, %sign3A_141 : i32
    %sign3A_143 = arith.constant 0 : i32
    %sign3A_144 = arith.cmpi sgt, %jit3A_134, %sign3A_143 : i32
    %sign3A_145 = arith.extui %sign3A_144 : i1 to i32
    %sign3A_146 = arith.constant 0 : i32
    %sign3A_147 = arith.cmpi slt, %jit3A_134, %sign3A_146 : i32
    %sign3A_148 = arith.extui %sign3A_147 : i1 to i32
    %sign3A_149 = arith.subi %sign3A_145, %sign3A_148 : i32
    %ne3A_150 = arith.cmpi ne, %sign3A_142, %sign3A_149 : i32
    %rem3A_151 = arith.remsi %select_n3A_133, %jit3A_134 : i32
    %ne3A_152 = arith.constant 0 : i32
    %ne3A_153 = arith.cmpi ne, %rem3A_151, %ne3A_152 : i32
    %and3A_154 = arith.andi %ne3A_150, %ne3A_153 : i1
    %sub3A_155 = arith.constant 1 : i32
    %sub3A_156 = arith.subi %div3A_135, %sub3A_155 : i32
    %select_n3A_157 = arith.select %and3A_154, %sub3A_156, %div3A_135 : i32
    %jit3A_158 = arith.constant 2 : i32
    %eq3A_159 = arith.constant 0 : i32
    %eq3A_160 = arith.cmpi eq, %jit3A_158, %eq3A_159 : i32
    %jit3A_161 = arith.constant 1 : i32
    %select_n3A_162 = arith.select %eq3A_160, %jit3A_161, %jit3A_158 : i32
    %rem3A_163 = arith.remsi %select_n3A_133, %select_n3A_162 : i32
    %ne3A_164 = arith.constant 0 : i32
    %ne3A_165 = arith.cmpi ne, %rem3A_163, %ne3A_164 : i32
    %lt3A_166 = arith.constant 0 : i32
    %lt3A_167 = arith.cmpi slt, %rem3A_163, %lt3A_166 : i32
    %lt3A_168 = arith.constant 0 : i32
    %lt3A_169 = arith.cmpi slt, %select_n3A_162, %lt3A_168 : i32
    %ne3A_170 = arith.xori %lt3A_167, %lt3A_169 : i1
    %and3A_171 = arith.andi %ne3A_170, %ne3A_165 : i1
    %add3A_172 = arith.addi %rem3A_163, %select_n3A_162 : i32
    %select_n3A_173 = arith.select %and3A_171, %add3A_172, %rem3A_163 : i32
    %mul3A_174 = arith.constant 8 : i32
    %mul3A_175 = arith.muli %select_n3A_157, %mul3A_174 : i32
    %multiple_of3A_176 = tpu.assume_multiple %mul3A_175, 8 : i32
    %mul3A_177 = arith.constant 4096 : i32
    %mul3A_178 = arith.muli %select_n3A_173, %mul3A_177 : i32
    %dma_start3A_179 = arith.constant 1 : i32
    %dma_start3A_180 = arith.constant 0 : i32
    %dma_start3A_181 = arith.constant 0 : i32
    %dma_start3A_182 = tpu.memref_slice %arg4[%dma_start3A_179, %dma_start3A_180, %dma_start3A_181] : memref<2x8x4096xf32, #tpu.memory_space<vmem>> -> memref<1x8x4096xf32, #tpu.memory_space<vmem>>
    %dma_start3A_183 = tpu.memref_squeeze %dma_start3A_182 : memref<1x8x4096xf32, #tpu.memory_space<vmem>> -> memref<8x4096xf32, #tpu.memory_space<vmem>>
    %dma_start3A_184 = tpu.memref_slice %arg2[%select_n3A_117, %multiple_of3A_176, %mul3A_178] : memref<3x543x8192xf32, #tpu.memory_space<hbm>> -> memref<1x8x4096xf32, #tpu.memory_space<hbm>>
    %dma_start3A_185 = tpu.memref_squeeze %dma_start3A_184 : memref<1x8x4096xf32, #tpu.memory_space<hbm>> -> memref<8x4096xf32, #tpu.memory_space<hbm>>
    %dma_start3A_186 = arith.constant 0 : i32
    %dma_start3A_187 = arith.constant 0 : i32
    %dma_start3A_188 = tpu.memref_slice %arg4[%dma_start3A_179, %dma_start3A_186, %dma_start3A_187] : memref<2x8x4096xf32, #tpu.memory_space<vmem>> -> memref<1x8x4096xf32, #tpu.memory_space<vmem>>
    %dma_start3A_189 = tpu.memref_squeeze %dma_start3A_188 : memref<1x8x4096xf32, #tpu.memory_space<vmem>> -> memref<8x4096xf32, #tpu.memory_space<vmem>>
    %dma_start3A_190 = tpu.memref_slice %arg2[%select_n3A_117, %multiple_of3A_176, %mul3A_178] : memref<3x543x8192xf32, #tpu.memory_space<hbm>> -> memref<1x8x4096xf32, #tpu.memory_space<hbm>>
    %dma_start3A_191 = tpu.memref_squeeze %dma_start3A_190 : memref<1x8x4096xf32, #tpu.memory_space<hbm>> -> memref<8x4096xf32, #tpu.memory_space<hbm>>
    tpu.enqueue_dma source(%dma_start3A_191 : memref<8x4096xf32, #tpu.memory_space<hbm>>) target(%dma_start3A_189 : memref<8x4096xf32, #tpu.memory_space<vmem>>) target_semaphore(%arg6 : memref<!tpu.dma_semaphore, #tpu.memory_space<semaphore_mem>>)
    %scan3A = arith.constant 0 : i32
    %scan3A_192 = arith.constant 0 : i32
    %scan3A_193 = arith.constant 7 : i32
    %scan3A_194 = arith.addi %scan3A_192, %scan3A_193 : i32
    %scan3A_195 = arith.constant 1 : i32
    %scan3A_196 = scf.for %scan3A_401 = %scan3A_192 to %scan3A_194 step %scan3A_195 iter_args(%scan3A_402 = %scan3A) -> (i32)  : i32 {
      %mul3A_403 = arith.constant 2 : i32
      %mul3A_404 = arith.muli %scan3A_401, %mul3A_403 : i32
      %add3A_405 = arith.constant 0 : i32
      %add3A_406 = arith.addi %mul3A_404, %add3A_405 : i32
      %mul3A_407 = arith.constant 32 : i32
      %mul3A_408 = arith.muli %mul3A_407, %add3A_406 : i32
      %add3A_409 = arith.addi %add3A, %mul3A_408 : i32
      %min3A_410 = arith.constant 407 : i32
      %min3A_411 = arith.minsi %add3A_409, %min3A_410 : i32
      %jit3A_412 = arith.constant 136 : i32
      %div3A_413 = arith.divsi %min3A_411, %jit3A_412 : i32
      %sign3A_414 = arith.constant 0 : i32
      %sign3A_415 = arith.cmpi sgt, %min3A_411, %sign3A_414 : i32
      %sign3A_416 = arith.extui %sign3A_415 : i1 to i32
      %sign3A_417 = arith.constant 0 : i32
      %sign3A_418 = arith.cmpi slt, %min3A_411, %sign3A_417 : i32
      %sign3A_419 = arith.extui %sign3A_418 : i1 to i32
      %sign3A_420 = arith.subi %sign3A_416, %sign3A_419 : i32
      %sign3A_421 = arith.constant 0 : i32
      %sign3A_422 = arith.cmpi sgt, %jit3A_412, %sign3A_421 : i32
      %sign3A_423 = arith.extui %sign3A_422 : i1 to i32
      %sign3A_424 = arith.constant 0 : i32
      %sign3A_425 = arith.cmpi slt, %jit3A_412, %sign3A_424 : i32
      %sign3A_426 = arith.extui %sign3A_425 : i1 to i32
      %sign3A_427 = arith.subi %sign3A_423, %sign3A_426 : i32
      %ne3A_428 = arith.cmpi ne, %sign3A_420, %sign3A_427 : i32
      %rem3A_429 = arith.remsi %min3A_411, %jit3A_412 : i32
      %ne3A_430 = arith.constant 0 : i32
      %ne3A_431 = arith.cmpi ne, %rem3A_429, %ne3A_430 : i32
      %and3A_432 = arith.andi %ne3A_428, %ne3A_431 : i1
      %sub3A_433 = arith.constant 1 : i32
      %sub3A_434 = arith.subi %div3A_413, %sub3A_433 : i32
      %select_n3A_435 = arith.select %and3A_432, %sub3A_434, %div3A_413 : i32
      %jit3A_436 = arith.constant 136 : i32
      %eq3A_437 = arith.constant 0 : i32
      %eq3A_438 = arith.cmpi eq, %jit3A_436, %eq3A_437 : i32
      %jit3A_439 = arith.constant 1 : i32
      %select_n3A_440 = arith.select %eq3A_438, %jit3A_439, %jit3A_436 : i32
      %rem3A_441 = arith.remsi %min3A_411, %select_n3A_440 : i32
      %ne3A_442 = arith.constant 0 : i32
      %ne3A_443 = arith.cmpi ne, %rem3A_441, %ne3A_442 : i32
      %lt3A_444 = arith.constant 0 : i32
      %lt3A_445 = arith.cmpi slt, %rem3A_441, %lt3A_444 : i32
      %lt3A_446 = arith.constant 0 : i32
      %lt3A_447 = arith.cmpi slt, %select_n3A_440, %lt3A_446 : i32
      %ne3A_448 = arith.xori %lt3A_445, %lt3A_447 : i1
      %and3A_449 = arith.andi %ne3A_448, %ne3A_443 : i1
      %add3A_450 = arith.addi %rem3A_441, %select_n3A_440 : i32
      %select_n3A_451 = arith.select %and3A_449, %add3A_450, %rem3A_441 : i32
      %jit3A_452 = arith.constant 2 : i32
      %div3A_453 = arith.divsi %select_n3A_451, %jit3A_452 : i32
      %sign3A_454 = arith.constant 0 : i32
      %sign3A_455 = arith.cmpi sgt, %select_n3A_451, %sign3A_454 : i32
      %sign3A_456 = arith.extui %sign3A_455 : i1 to i32
      %sign3A_457 = arith.constant 0 : i32
      %sign3A_458 = arith.cmpi slt, %select_n3A_451, %sign3A_457 : i32
      %sign3A_459 = arith.extui %sign3A_458 : i1 to i32
      %sign3A_460 = arith.subi %sign3A_456, %sign3A_459 : i32
      %sign3A_461 = arith.constant 0 : i32
      %sign3A_462 = arith.cmpi sgt, %jit3A_452, %sign3A_461 : i32
      %sign3A_463 = arith.extui %sign3A_462 : i1 to i32
      %sign3A_464 = arith.constant 0 : i32
      %sign3A_465 = arith.cmpi slt, %jit3A_452, %sign3A_464 : i32
      %sign3A_466 = arith.extui %sign3A_465 : i1 to i32
      %sign3A_467 = arith.subi %sign3A_463, %sign3A_466 : i32
      %ne3A_468 = arith.cmpi ne, %sign3A_460, %sign3A_467 : i32
      %rem3A_469 = arith.remsi %select_n3A_451, %jit3A_452 : i32
      %ne3A_470 = arith.constant 0 : i32
      %ne3A_471 = arith.cmpi ne, %rem3A_469, %ne3A_470 : i32
      %and3A_472 = arith.andi %ne3A_468, %ne3A_471 : i1
      %sub3A_473 = arith.constant 1 : i32
      %sub3A_474 = arith.subi %div3A_453, %sub3A_473 : i32
      %select_n3A_475 = arith.select %and3A_472, %sub3A_474, %div3A_453 : i32
      %jit3A_476 = arith.constant 2 : i32
      %eq3A_477 = arith.constant 0 : i32
      %eq3A_478 = arith.cmpi eq, %jit3A_476, %eq3A_477 : i32
      %jit3A_479 = arith.constant 1 : i32
      %select_n3A_480 = arith.select %eq3A_478, %jit3A_479, %jit3A_476 : i32
      %rem3A_481 = arith.remsi %select_n3A_451, %select_n3A_480 : i32
      %ne3A_482 = arith.constant 0 : i32
      %ne3A_483 = arith.cmpi ne, %rem3A_481, %ne3A_482 : i32
      %lt3A_484 = arith.constant 0 : i32
      %lt3A_485 = arith.cmpi slt, %rem3A_481, %lt3A_484 : i32
      %lt3A_486 = arith.constant 0 : i32
      %lt3A_487 = arith.cmpi slt, %select_n3A_480, %lt3A_486 : i32
      %ne3A_488 = arith.xori %lt3A_485, %lt3A_487 : i1
      %and3A_489 = arith.andi %ne3A_488, %ne3A_483 : i1
      %add3A_490 = arith.addi %rem3A_481, %select_n3A_480 : i32
      %select_n3A_491 = arith.select %and3A_489, %add3A_490, %rem3A_481 : i32
      %mul3A_492 = arith.constant 8 : i32
      %mul3A_493 = arith.muli %select_n3A_475, %mul3A_492 : i32
      %multiple_of3A_494 = tpu.assume_multiple %mul3A_493, 8 : i32
      %mul3A_495 = arith.constant 4096 : i32
      %mul3A_496 = arith.muli %select_n3A_491, %mul3A_495 : i32
      %dma_wait3A_497 = arith.constant 0 : i32
      %dma_wait3A_498 = arith.constant 0 : i32
      %dma_wait3A_499 = arith.constant 0 : i32
      %dma_wait3A_500 = tpu.memref_slice %arg4[%dma_wait3A_497, %dma_wait3A_498, %dma_wait3A_499] : memref<2x8x4096xf32, #tpu.memory_space<vmem>> -> memref<1x8x4096xf32, #tpu.memory_space<vmem>>
      %dma_wait3A_501 = tpu.memref_squeeze %dma_wait3A_500 : memref<1x8x4096xf32, #tpu.memory_space<vmem>> -> memref<8x4096xf32, #tpu.memory_space<vmem>>
      %dma_wait3A_502 = tpu.memref_slice %arg2[%select_n3A_435, %multiple_of3A_494, %mul3A_496] : memref<3x543x8192xf32, #tpu.memory_space<hbm>> -> memref<1x8x4096xf32, #tpu.memory_space<hbm>>
      %dma_wait3A_503 = tpu.memref_squeeze %dma_wait3A_502 : memref<1x8x4096xf32, #tpu.memory_space<hbm>> -> memref<8x4096xf32, #tpu.memory_space<hbm>>
      %dma_wait3A_504 = arith.constant 0 : i32
      %dma_wait3A_505 = arith.constant 0 : i32
      %dma_wait3A_506 = tpu.memref_slice %arg4[%dma_wait3A_497, %dma_wait3A_504, %dma_wait3A_505] : memref<2x8x4096xf32, #tpu.memory_space<vmem>> -> memref<1x8x4096xf32, #tpu.memory_space<vmem>>
      %dma_wait3A_507 = tpu.memref_squeeze %dma_wait3A_506 : memref<1x8x4096xf32, #tpu.memory_space<vmem>> -> memref<8x4096xf32, #tpu.memory_space<vmem>>
      %dma_wait3A_508 = tpu.memref_slice %arg2[%select_n3A_435, %multiple_of3A_494, %mul3A_496] : memref<3x543x8192xf32, #tpu.memory_space<hbm>> -> memref<1x8x4096xf32, #tpu.memory_space<hbm>>
      %dma_wait3A_509 = tpu.memref_squeeze %dma_wait3A_508 : memref<1x8x4096xf32, #tpu.memory_space<hbm>> -> memref<8x4096xf32, #tpu.memory_space<hbm>>
      tpu.wait_dma2 semaphore(%arg6 : memref<!tpu.dma_semaphore, #tpu.memory_space<semaphore_mem>>) src(%dma_wait3A_509 : memref<8x4096xf32, #tpu.memory_space<hbm>>) dst(%dma_wait3A_507 : memref<8x4096xf32, #tpu.memory_space<vmem>>)
      %gt3A = arith.constant 0 : i32
      %gt3A_510 = arith.cmpi sgt, %scan3A_401, %gt3A : i32
      %convert_element_type3A = arith.extui %gt3A_510 : i1 to i32
      %cond3A = arith.constant 0 : i32
      %cond3A_511 = arith.cmpi ne, %convert_element_type3A, %cond3A : i32
      scf.if %cond3A_511 {
        %sub3A_1039 = arith.constant 2 : i32
        %sub3A_1040 = arith.subi %add3A_406, %sub3A_1039 : i32
        %mul3A_1041 = arith.constant 32 : i32
        %mul3A_1042 = arith.muli %mul3A_1041, %sub3A_1040 : i32
        %add3A_1043 = arith.addi %add3A, %mul3A_1042 : i32
        %min3A_1044 = arith.constant 407 : i32
        %min3A_1045 = arith.minsi %add3A_1043, %min3A_1044 : i32
        %jit3A_1046 = arith.constant 136 : i32
        %div3A_1047 = arith.divsi %min3A_1045, %jit3A_1046 : i32
        %sign3A_1048 = arith.constant 0 : i32
        %sign3A_1049 = arith.cmpi sgt, %min3A_1045, %sign3A_1048 : i32
        %sign3A_1050 = arith.extui %sign3A_1049 : i1 to i32
        %sign3A_1051 = arith.constant 0 : i32
        %sign3A_1052 = arith.cmpi slt, %min3A_1045, %sign3A_1051 : i32
        %sign3A_1053 = arith.extui %sign3A_1052 : i1 to i32
        %sign3A_1054 = arith.subi %sign3A_1050, %sign3A_1053 : i32
        %sign3A_1055 = arith.constant 0 : i32
        %sign3A_1056 = arith.cmpi sgt, %jit3A_1046, %sign3A_1055 : i32
        %sign3A_1057 = arith.extui %sign3A_1056 : i1 to i32
        %sign3A_1058 = arith.constant 0 : i32
        %sign3A_1059 = arith.cmpi slt, %jit3A_1046, %sign3A_1058 : i32
        %sign3A_1060 = arith.extui %sign3A_1059 : i1 to i32
        %sign3A_1061 = arith.subi %sign3A_1057, %sign3A_1060 : i32
        %ne3A_1062 = arith.cmpi ne, %sign3A_1054, %sign3A_1061 : i32
        %rem3A_1063 = arith.remsi %min3A_1045, %jit3A_1046 : i32
        %ne3A_1064 = arith.constant 0 : i32
        %ne3A_1065 = arith.cmpi ne, %rem3A_1063, %ne3A_1064 : i32
        %and3A_1066 = arith.andi %ne3A_1062, %ne3A_1065 : i1
        %sub3A_1067 = arith.constant 1 : i32
        %sub3A_1068 = arith.subi %div3A_1047, %sub3A_1067 : i32
        %select_n3A_1069 = arith.select %and3A_1066, %sub3A_1068, %div3A_1047 : i32
        %jit3A_1070 = arith.constant 136 : i32
        %eq3A_1071 = arith.constant 0 : i32
        %eq3A_1072 = arith.cmpi eq, %jit3A_1070, %eq3A_1071 : i32
        %jit3A_1073 = arith.constant 1 : i32
        %select_n3A_1074 = arith.select %eq3A_1072, %jit3A_1073, %jit3A_1070 : i32
        %rem3A_1075 = arith.remsi %min3A_1045, %select_n3A_1074 : i32
        %ne3A_1076 = arith.constant 0 : i32
        %ne3A_1077 = arith.cmpi ne, %rem3A_1075, %ne3A_1076 : i32
        %lt3A_1078 = arith.constant 0 : i32
        %lt3A_1079 = arith.cmpi slt, %rem3A_1075, %lt3A_1078 : i32
        %lt3A_1080 = arith.constant 0 : i32
        %lt3A_1081 = arith.cmpi slt, %select_n3A_1074, %lt3A_1080 : i32
        %ne3A_1082 = arith.xori %lt3A_1079, %lt3A_1081 : i1
        %and3A_1083 = arith.andi %ne3A_1082, %ne3A_1077 : i1
        %add3A_1084 = arith.addi %rem3A_1075, %select_n3A_1074 : i32
        %select_n3A_1085 = arith.select %and3A_1083, %add3A_1084, %rem3A_1075 : i32
        %jit3A_1086 = arith.constant 2 : i32
        %div3A_1087 = arith.divsi %select_n3A_1085, %jit3A_1086 : i32
        %sign3A_1088 = arith.constant 0 : i32
        %sign3A_1089 = arith.cmpi sgt, %select_n3A_1085, %sign3A_1088 : i32
        %sign3A_1090 = arith.extui %sign3A_1089 : i1 to i32
        %sign3A_1091 = arith.constant 0 : i32
        %sign3A_1092 = arith.cmpi slt, %select_n3A_1085, %sign3A_1091 : i32
        %sign3A_1093 = arith.extui %sign3A_1092 : i1 to i32
        %sign3A_1094 = arith.subi %sign3A_1090, %sign3A_1093 : i32
        %sign3A_1095 = arith.constant 0 : i32
        %sign3A_1096 = arith.cmpi sgt, %jit3A_1086, %sign3A_1095 : i32
        %sign3A_1097 = arith.extui %sign3A_1096 : i1 to i32
        %sign3A_1098 = arith.constant 0 : i32
        %sign3A_1099 = arith.cmpi slt, %jit3A_1086, %sign3A_1098 : i32
        %sign3A_1100 = arith.extui %sign3A_1099 : i1 to i32
        %sign3A_1101 = arith.subi %sign3A_1097, %sign3A_1100 : i32
        %ne3A_1102 = arith.cmpi ne, %sign3A_1094, %sign3A_1101 : i32
        %rem3A_1103 = arith.remsi %select_n3A_1085, %jit3A_1086 : i32
        %ne3A_1104 = arith.constant 0 : i32
        %ne3A_1105 = arith.cmpi ne, %rem3A_1103, %ne3A_1104 : i32
        %and3A_1106 = arith.andi %ne3A_1102, %ne3A_1105 : i1
        %sub3A_1107 = arith.constant 1 : i32
        %sub3A_1108 = arith.subi %div3A_1087, %sub3A_1107 : i32
        %select_n3A_1109 = arith.select %and3A_1106, %sub3A_1108, %div3A_1087 : i32
        %jit3A_1110 = arith.constant 2 : i32
        %eq3A_1111 = arith.constant 0 : i32
        %eq3A_1112 = arith.cmpi eq, %jit3A_1110, %eq3A_1111 : i32
        %jit3A_1113 = arith.constant 1 : i32
        %select_n3A_1114 = arith.select %eq3A_1112, %jit3A_1113, %jit3A_1110 : i32
        %rem3A_1115 = arith.remsi %select_n3A_1085, %select_n3A_1114 : i32
        %ne3A_1116 = arith.constant 0 : i32
        %ne3A_1117 = arith.cmpi ne, %rem3A_1115, %ne3A_1116 : i32
        %lt3A_1118 = arith.constant 0 : i32
        %lt3A_1119 = arith.cmpi slt, %rem3A_1115, %lt3A_1118 : i32
        %lt3A_1120 = arith.constant 0 : i32
        %lt3A_1121 = arith.cmpi slt, %select_n3A_1114, %lt3A_1120 : i32
        %ne3A_1122 = arith.xori %lt3A_1119, %lt3A_1121 : i1
        %and3A_1123 = arith.andi %ne3A_1122, %ne3A_1117 : i1
        %add3A_1124 = arith.addi %rem3A_1115, %select_n3A_1114 : i32
        %select_n3A_1125 = arith.select %and3A_1123, %add3A_1124, %rem3A_1115 : i32
        %mul3A_1126 = arith.constant 8 : i32
        %mul3A_1127 = arith.muli %select_n3A_1109, %mul3A_1126 : i32
        %multiple_of3A_1128 = tpu.assume_multiple %mul3A_1127, 8 : i32
        %mul3A_1129 = arith.constant 512 : i32
        %mul3A_1130 = arith.muli %select_n3A_1125, %mul3A_1129 : i32
        %dma_wait3A_1131 = arith.constant 0 : i32
        %dma_wait3A_1132 = arith.constant 0 : i32
        %dma_wait3A_1133 = arith.constant 0 : i32
        %dma_wait3A_1134 = tpu.memref_slice %arg5[%dma_wait3A_1131, %dma_wait3A_1132, %dma_wait3A_1133] : memref<2x8x512xf32, #tpu.memory_space<vmem>> -> memref<1x8x512xf32, #tpu.memory_space<vmem>>
        %dma_wait3A_1135 = tpu.memref_squeeze %dma_wait3A_1134 : memref<1x8x512xf32, #tpu.memory_space<vmem>> -> memref<8x512xf32, #tpu.memory_space<vmem>>
        %dma_wait3A_1136 = tpu.memref_slice %arg3[%select_n3A_1069, %multiple_of3A_1128, %mul3A_1130] : memref<3x543x1024xf32, #tpu.memory_space<hbm>> -> memref<1x8x512xf32, #tpu.memory_space<hbm>>
        %dma_wait3A_1137 = tpu.memref_squeeze %dma_wait3A_1136 : memref<1x8x512xf32, #tpu.memory_space<hbm>> -> memref<8x512xf32, #tpu.memory_space<hbm>>
        %dma_wait3A_1138 = tpu.memref_slice %arg3[%select_n3A_1069, %multiple_of3A_1128, %mul3A_1130] : memref<3x543x1024xf32, #tpu.memory_space<hbm>> -> memref<1x8x512xf32, #tpu.memory_space<hbm>>
        %dma_wait3A_1139 = tpu.memref_squeeze %dma_wait3A_1138 : memref<1x8x512xf32, #tpu.memory_space<hbm>> -> memref<8x512xf32, #tpu.memory_space<hbm>>
        %dma_wait3A_1140 = arith.constant 0 : i32
        %dma_wait3A_1141 = arith.constant 0 : i32
        %dma_wait3A_1142 = tpu.memref_slice %arg5[%dma_wait3A_1131, %dma_wait3A_1140, %dma_wait3A_1141] : memref<2x8x512xf32, #tpu.memory_space<vmem>> -> memref<1x8x512xf32, #tpu.memory_space<vmem>>
        %dma_wait3A_1143 = tpu.memref_squeeze %dma_wait3A_1142 : memref<1x8x512xf32, #tpu.memory_space<vmem>> -> memref<8x512xf32, #tpu.memory_space<vmem>>
        tpu.wait_dma2 semaphore(%arg7 : memref<!tpu.dma_semaphore, #tpu.memory_space<semaphore_mem>>) src(%dma_wait3A_1143 : memref<8x512xf32, #tpu.memory_space<vmem>>) dst(%dma_wait3A_1139 : memref<8x512xf32, #tpu.memory_space<hbm>>)
      } else {
      }
      %mul3A_512 = arith.constant 32 : i32
      %mul3A_513 = arith.muli %mul3A_512, %add3A_406 : i32
      %add3A_514 = arith.addi %add3A, %mul3A_513 : i32
      %min3A_515 = arith.constant 407 : i32
      %min3A_516 = arith.minsi %add3A_514, %min3A_515 : i32
      %jit3A_517 = arith.constant 136 : i32
      %div3A_518 = arith.divsi %min3A_516, %jit3A_517 : i32
      %sign3A_519 = arith.constant 0 : i32
      %sign3A_520 = arith.cmpi sgt, %min3A_516, %sign3A_519 : i32
      %sign3A_521 = arith.extui %sign3A_520 : i1 to i32
      %sign3A_522 = arith.constant 0 : i32
      %sign3A_523 = arith.cmpi slt, %min3A_516, %sign3A_522 : i32
      %sign3A_524 = arith.extui %sign3A_523 : i1 to i32
      %sign3A_525 = arith.subi %sign3A_521, %sign3A_524 : i32
      %sign3A_526 = arith.constant 0 : i32
      %sign3A_527 = arith.cmpi sgt, %jit3A_517, %sign3A_526 : i32
      %sign3A_528 = arith.extui %sign3A_527 : i1 to i32
      %sign3A_529 = arith.constant 0 : i32
      %sign3A_530 = arith.cmpi slt, %jit3A_517, %sign3A_529 : i32
      %sign3A_531 = arith.extui %sign3A_530 : i1 to i32
      %sign3A_532 = arith.subi %sign3A_528, %sign3A_531 : i32
      %ne3A_533 = arith.cmpi ne, %sign3A_525, %sign3A_532 : i32
      %rem3A_534 = arith.remsi %min3A_516, %jit3A_517 : i32
      %ne3A_535 = arith.constant 0 : i32
      %ne3A_536 = arith.cmpi ne, %rem3A_534, %ne3A_535 : i32
      %and3A_537 = arith.andi %ne3A_533, %ne3A_536 : i1
      %sub3A_538 = arith.constant 1 : i32
      %sub3A_539 = arith.subi %div3A_518, %sub3A_538 : i32
      %select_n3A_540 = arith.select %and3A_537, %sub3A_539, %div3A_518 : i32
      %jit3A_541 = arith.constant 136 : i32
      %eq3A_542 = arith.constant 0 : i32
      %eq3A_543 = arith.cmpi eq, %jit3A_541, %eq3A_542 : i32
      %jit3A_544 = arith.constant 1 : i32
      %select_n3A_545 = arith.select %eq3A_543, %jit3A_544, %jit3A_541 : i32
      %rem3A_546 = arith.remsi %min3A_516, %select_n3A_545 : i32
      %ne3A_547 = arith.constant 0 : i32
      %ne3A_548 = arith.cmpi ne, %rem3A_546, %ne3A_547 : i32
      %lt3A_549 = arith.constant 0 : i32
      %lt3A_550 = arith.cmpi slt, %rem3A_546, %lt3A_549 : i32
      %lt3A_551 = arith.constant 0 : i32
      %lt3A_552 = arith.cmpi slt, %select_n3A_545, %lt3A_551 : i32
      %ne3A_553 = arith.xori %lt3A_550, %lt3A_552 : i1
      %and3A_554 = arith.andi %ne3A_553, %ne3A_548 : i1
      %add3A_555 = arith.addi %rem3A_546, %select_n3A_545 : i32
      %select_n3A_556 = arith.select %and3A_554, %add3A_555, %rem3A_546 : i32
      %jit3A_557 = arith.constant 2 : i32
      %div3A_558 = arith.divsi %select_n3A_556, %jit3A_557 : i32
      %sign3A_559 = arith.constant 0 : i32
      %sign3A_560 = arith.cmpi sgt, %select_n3A_556, %sign3A_559 : i32
      %sign3A_561 = arith.extui %sign3A_560 : i1 to i32
      %sign3A_562 = arith.constant 0 : i32
      %sign3A_563 = arith.cmpi slt, %select_n3A_556, %sign3A_562 : i32
      %sign3A_564 = arith.extui %sign3A_563 : i1 to i32
      %sign3A_565 = arith.subi %sign3A_561, %sign3A_564 : i32
      %sign3A_566 = arith.constant 0 : i32
      %sign3A_567 = arith.cmpi sgt, %jit3A_557, %sign3A_566 : i32
      %sign3A_568 = arith.extui %sign3A_567 : i1 to i32
      %sign3A_569 = arith.constant 0 : i32
      %sign3A_570 = arith.cmpi slt, %jit3A_557, %sign3A_569 : i32
      %sign3A_571 = arith.extui %sign3A_570 : i1 to i32
      %sign3A_572 = arith.subi %sign3A_568, %sign3A_571 : i32
      %ne3A_573 = arith.cmpi ne, %sign3A_565, %sign3A_572 : i32
      %rem3A_574 = arith.remsi %select_n3A_556, %jit3A_557 : i32
      %ne3A_575 = arith.constant 0 : i32
      %ne3A_576 = arith.cmpi ne, %rem3A_574, %ne3A_575 : i32
      %and3A_577 = arith.andi %ne3A_573, %ne3A_576 : i1
      %sub3A_578 = arith.constant 1 : i32
      %sub3A_579 = arith.subi %div3A_558, %sub3A_578 : i32
      %select_n3A_580 = arith.select %and3A_577, %sub3A_579, %div3A_558 : i32
      %jit3A_581 = arith.constant 2 : i32
      %eq3A_582 = arith.constant 0 : i32
      %eq3A_583 = arith.cmpi eq, %jit3A_581, %eq3A_582 : i32
      %jit3A_584 = arith.constant 1 : i32
      %select_n3A_585 = arith.select %eq3A_583, %jit3A_584, %jit3A_581 : i32
      %rem3A_586 = arith.remsi %select_n3A_556, %select_n3A_585 : i32
      %ne3A_587 = arith.constant 0 : i32
      %ne3A_588 = arith.cmpi ne, %rem3A_586, %ne3A_587 : i32
      %lt3A_589 = arith.constant 0 : i32
      %lt3A_590 = arith.cmpi slt, %rem3A_586, %lt3A_589 : i32
      %lt3A_591 = arith.constant 0 : i32
      %lt3A_592 = arith.cmpi slt, %select_n3A_585, %lt3A_591 : i32
      %ne3A_593 = arith.xori %lt3A_590, %lt3A_592 : i1
      %and3A_594 = arith.andi %ne3A_593, %ne3A_588 : i1
      %add3A_595 = arith.addi %rem3A_586, %select_n3A_585 : i32
      %select_n3A_596 = arith.select %and3A_594, %add3A_595, %rem3A_586 : i32
      %mul3A_597 = arith.constant 8 : i32
      %mul3A_598 = arith.muli %select_n3A_580, %mul3A_597 : i32
      %multiple_of3A_599 = tpu.assume_multiple %mul3A_598, 8 : i32
      %mul3A_600 = arith.constant 512 : i32
      %mul3A_601 = arith.muli %select_n3A_596, %mul3A_600 : i32
      %mul3A_602 = arith.constant 4096 : i32
      %mul3A_603 = arith.muli %select_n3A_596, %mul3A_602 : i32
      %scan3A_604 = arith.constant 0 : i32
      %scan3A_605 = arith.constant 0 : i32
      %scan3A_606 = arith.constant 256 : i32
      %scan3A_607 = arith.addi %scan3A_605, %scan3A_606 : i32
      %scan3A_608 = arith.constant 4 : i32
      %scan3A_609 = scf.for %scan3A_1039 = %scan3A_605 to %scan3A_607 step %scan3A_608 iter_args(%scan3A_1040 = %scan3A_604) -> (i32)  : i32 {
        %jit3A_1041 = arith.constant 32 : i32
        %div3A_1042 = arith.divsi %scan3A_1039, %jit3A_1041 : i32
        %sign3A_1043 = arith.constant 0 : i32
        %sign3A_1044 = arith.cmpi sgt, %scan3A_1039, %sign3A_1043 : i32
        %sign3A_1045 = arith.extui %sign3A_1044 : i1 to i32
        %sign3A_1046 = arith.constant 0 : i32
        %sign3A_1047 = arith.cmpi slt, %scan3A_1039, %sign3A_1046 : i32
        %sign3A_1048 = arith.extui %sign3A_1047 : i1 to i32
        %sign3A_1049 = arith.subi %sign3A_1045, %sign3A_1048 : i32
        %sign3A_1050 = arith.constant 0 : i32
        %sign3A_1051 = arith.cmpi sgt, %jit3A_1041, %sign3A_1050 : i32
        %sign3A_1052 = arith.extui %sign3A_1051 : i1 to i32
        %sign3A_1053 = arith.constant 0 : i32
        %sign3A_1054 = arith.cmpi slt, %jit3A_1041, %sign3A_1053 : i32
        %sign3A_1055 = arith.extui %sign3A_1054 : i1 to i32
        %sign3A_1056 = arith.subi %sign3A_1052, %sign3A_1055 : i32
        %ne3A_1057 = arith.cmpi ne, %sign3A_1049, %sign3A_1056 : i32
        %rem3A_1058 = arith.remsi %scan3A_1039, %jit3A_1041 : i32
        %ne3A_1059 = arith.constant 0 : i32
        %ne3A_1060 = arith.cmpi ne, %rem3A_1058, %ne3A_1059 : i32
        %and3A_1061 = arith.andi %ne3A_1057, %ne3A_1060 : i1
        %sub3A_1062 = arith.constant 1 : i32
        %sub3A_1063 = arith.subi %div3A_1042, %sub3A_1062 : i32
        %select_n3A_1064 = arith.select %and3A_1061, %sub3A_1063, %div3A_1042 : i32
        %jit3A_1065 = arith.constant 32 : i32
        %eq3A_1066 = arith.constant 0 : i32
        %eq3A_1067 = arith.cmpi eq, %jit3A_1065, %eq3A_1066 : i32
        %jit3A_1068 = arith.constant 1 : i32
        %select_n3A_1069 = arith.select %eq3A_1067, %jit3A_1068, %jit3A_1065 : i32
        %rem3A_1070 = arith.remsi %scan3A_1039, %select_n3A_1069 : i32
        %ne3A_1071 = arith.constant 0 : i32
        %ne3A_1072 = arith.cmpi ne, %rem3A_1070, %ne3A_1071 : i32
        %lt3A_1073 = arith.constant 0 : i32
        %lt3A_1074 = arith.cmpi slt, %rem3A_1070, %lt3A_1073 : i32
        %lt3A_1075 = arith.constant 0 : i32
        %lt3A_1076 = arith.cmpi slt, %select_n3A_1069, %lt3A_1075 : i32
        %ne3A_1077 = arith.xori %lt3A_1074, %lt3A_1076 : i1
        %and3A_1078 = arith.andi %ne3A_1077, %ne3A_1072 : i1
        %add3A_1079 = arith.addi %rem3A_1070, %select_n3A_1069 : i32
        %select_n3A_1080 = arith.select %and3A_1078, %add3A_1079, %rem3A_1070 : i32
        %mul3A_1081 = arith.constant 16 : i32
        %mul3A_1082 = arith.muli %select_n3A_1080, %mul3A_1081 : i32
        %add3A_1083 = vector.broadcast %mul3A_1082 : i32 to vector<16xi32>
        %add3A_1084 = arith.addi %iota3A, %add3A_1083 : vector<16xi32>
        %add3A_1085 = vector.broadcast %mul3A_601 : i32 to vector<16xi32>
        %add3A_1086 = arith.addi %add3A_1084, %add3A_1085 : vector<16xi32>
        %mul3A_1087 = arith.constant 16382 : i32
        %mul3A_1088 = vector.broadcast %mul3A_1087 : i32 to vector<16xi32>
        %mul3A_1089 = arith.muli %mul3A_1088, %add3A_1086 : vector<16xi32>
        %add3A_1090 = arith.constant 1023 : i32
        %add3A_1091 = vector.broadcast %add3A_1090 : i32 to vector<16xi32>
        %add3A_1092 = arith.addi %mul3A_1089, %add3A_1091 : vector<16xi32>
        %jit3A_1093 = arith.constant 2046 : i32
        %div3A_1094 = vector.broadcast %jit3A_1093 : i32 to vector<16xi32>
        %div3A_1095 = arith.divsi %add3A_1092, %div3A_1094 : vector<16xi32>
        %sign3A_1096 = arith.constant 0 : i32
        %sign3A_1097 = vector.broadcast %sign3A_1096 : i32 to vector<16xi32>
        %sign3A_1098 = arith.cmpi sgt, %add3A_1092, %sign3A_1097 : vector<16xi32>
        %sign3A_1099 = arith.extui %sign3A_1098 : vector<16xi1> to vector<16xi32>
        %sign3A_1100 = arith.constant 0 : i32
        %sign3A_1101 = vector.broadcast %sign3A_1100 : i32 to vector<16xi32>
        %sign3A_1102 = arith.cmpi slt, %add3A_1092, %sign3A_1101 : vector<16xi32>
        %sign3A_1103 = arith.extui %sign3A_1102 : vector<16xi1> to vector<16xi32>
        %sign3A_1104 = arith.subi %sign3A_1099, %sign3A_1103 : vector<16xi32>
        %sign3A_1105 = arith.constant 0 : i32
        %sign3A_1106 = arith.cmpi sgt, %jit3A_1093, %sign3A_1105 : i32
        %sign3A_1107 = arith.extui %sign3A_1106 : i1 to i32
        %sign3A_1108 = arith.constant 0 : i32
        %sign3A_1109 = arith.cmpi slt, %jit3A_1093, %sign3A_1108 : i32
        %sign3A_1110 = arith.extui %sign3A_1109 : i1 to i32
        %sign3A_1111 = arith.subi %sign3A_1107, %sign3A_1110 : i32
        %ne3A_1112 = vector.broadcast %sign3A_1111 : i32 to vector<16xi32>
        %ne3A_1113 = arith.cmpi ne, %sign3A_1104, %ne3A_1112 : vector<16xi32>
        %rem3A_1114 = vector.broadcast %jit3A_1093 : i32 to vector<16xi32>
        %rem3A_1115 = arith.remsi %add3A_1092, %rem3A_1114 : vector<16xi32>
        %ne3A_1116 = arith.constant 0 : i32
        %ne3A_1117 = vector.broadcast %ne3A_1116 : i32 to vector<16xi32>
        %ne3A_1118 = arith.cmpi ne, %rem3A_1115, %ne3A_1117 : vector<16xi32>
        %and3A_1119 = arith.andi %ne3A_1113, %ne3A_1118 : vector<16xi1>
        %sub3A_1120 = arith.constant 1 : i32
        %sub3A_1121 = vector.broadcast %sub3A_1120 : i32 to vector<16xi32>
        %sub3A_1122 = arith.subi %div3A_1095, %sub3A_1121 : vector<16xi32>
        %select_n3A_1123 = arith.select %and3A_1119, %sub3A_1122, %div3A_1095 : vector<16xi1>, vector<16xi32>
        %sub3A_1124 = vector.broadcast %mul3A_603 : i32 to vector<16xi32>
        %sub3A_1125 = arith.subi %select_n3A_1123, %sub3A_1124 : vector<16xi32>
        %broadcast_in_dim3A = arith.constant 0 : i32
        %broadcast_in_dim3A_1126 = vector.broadcast %broadcast_in_dim3A : i32 to vector<16xi32>
        %add3A_1127 = vector.broadcast %select_n3A_1064 : i32 to vector<16xi32>
        %add3A_1128 = arith.addi %broadcast_in_dim3A_1126, %add3A_1127 : vector<16xi32>
        %gather3A = arith.constant 0 : i32
        %gather3A_1129 = arith.constant 0 : i32
        %gather3A_1130 = arith.constant 0 : i32
        %gather3A_1131 = tpu.memref_slice %arg4[%gather3A, %gather3A_1129, %gather3A_1130] : memref<2x8x4096xf32, #tpu.memory_space<vmem>> -> memref<1x8x4096xf32, #tpu.memory_space<vmem>>
        %gather3A_1132 = tpu.memref_squeeze %gather3A_1131 : memref<1x8x4096xf32, #tpu.memory_space<vmem>> -> memref<8x4096xf32, #tpu.memory_space<vmem>>
        %gather3A_1133 = tpu.vector_load_idx %gather3A_1132[%add3A_1128, %sub3A_1125] : memref<8x4096xf32, #tpu.memory_space<vmem>>[vector<16xi32>, vector<16xi32>], vector<16xf32>,
        %mul3A_1134 = arith.constant 16 : i32
        %mul3A_1135 = arith.muli %select_n3A_1080, %mul3A_1134 : i32
        %swap3A = arith.constant 0 : i32
        %swap3A_1136 = arith.index_cast %swap3A : i32 to index
        %swap3A_1137 = arith.index_cast %select_n3A_1064 : i32 to index
        %swap3A_1138 = arith.index_cast %mul3A_1135 : i32 to index
        %swap3A_1139 = tpu.vector_load %arg5[%swap3A_1136, %swap3A_1137, %swap3A_1138] {strides = array<i32>} : memref<2x8x512xf32, #tpu.memory_space<vmem>>, vector<16xf32>,
        tpu.vector_store %arg5[%swap3A_1136, %swap3A_1137, %swap3A_1138], %gather3A_1133 {strides = array<i32>} : memref<2x8x512xf32, #tpu.memory_space<vmem>>, vector<16xf32>,
        %scan3A_1140 = arith.constant 0 : i32
        %scan3A_1141 = arith.constant 1 : i32
        %scan3A_1142 = arith.addi %scan3A_1039, %scan3A_1141 : i32
        %jit3A_1143 = arith.constant 32 : i32
        %div3A_1144 = arith.divsi %scan3A_1142, %jit3A_1143 : i32
        %sign3A_1145 = arith.constant 0 : i32
        %sign3A_1146 = arith.cmpi sgt, %scan3A_1142, %sign3A_1145 : i32
        %sign3A_1147 = arith.extui %sign3A_1146 : i1 to i32
        %sign3A_1148 = arith.constant 0 : i32
        %sign3A_1149 = arith.cmpi slt, %scan3A_1142, %sign3A_1148 : i32
        %sign3A_1150 = arith.extui %sign3A_1149 : i1 to i32
        %sign3A_1151 = arith.subi %sign3A_1147, %sign3A_1150 : i32
        %sign3A_1152 = arith.constant 0 : i32
        %sign3A_1153 = arith.cmpi sgt, %jit3A_1143, %sign3A_1152 : i32
        %sign3A_1154 = arith.extui %sign3A_1153 : i1 to i32
        %sign3A_1155 = arith.constant 0 : i32
        %sign3A_1156 = arith.cmpi slt, %jit3A_1143, %sign3A_1155 : i32
        %sign3A_1157 = arith.extui %sign3A_1156 : i1 to i32
        %sign3A_1158 = arith.subi %sign3A_1154, %sign3A_1157 : i32
        %ne3A_1159 = arith.cmpi ne, %sign3A_1151, %sign3A_1158 : i32
        %rem3A_1160 = arith.remsi %scan3A_1142, %jit3A_1143 : i32
        %ne3A_1161 = arith.constant 0 : i32
        %ne3A_1162 = arith.cmpi ne, %rem3A_1160, %ne3A_1161 : i32
        %and3A_1163 = arith.andi %ne3A_1159, %ne3A_1162 : i1
        %sub3A_1164 = arith.constant 1 : i32
        %sub3A_1165 = arith.subi %div3A_1144, %sub3A_1164 : i32
        %select_n3A_1166 = arith.select %and3A_1163, %sub3A_1165, %div3A_1144 : i32
        %jit3A_1167 = arith.constant 32 : i32
        %eq3A_1168 = arith.constant 0 : i32
        %eq3A_1169 = arith.cmpi eq, %jit3A_1167, %eq3A_1168 : i32
        %jit3A_1170 = arith.constant 1 : i32
        %select_n3A_1171 = arith.select %eq3A_1169, %jit3A_1170, %jit3A_1167 : i32
        %rem3A_1172 = arith.remsi %scan3A_1142, %select_n3A_1171 : i32
        %ne3A_1173 = arith.constant 0 : i32
        %ne3A_1174 = arith.cmpi ne, %rem3A_1172, %ne3A_1173 : i32
        %lt3A_1175 = arith.constant 0 : i32
        %lt3A_1176 = arith.cmpi slt, %rem3A_1172, %lt3A_1175 : i32
        %lt3A_1177 = arith.constant 0 : i32
        %lt3A_1178 = arith.cmpi slt, %select_n3A_1171, %lt3A_1177 : i32
        %ne3A_1179 = arith.xori %lt3A_1176, %lt3A_1178 : i1
        %and3A_1180 = arith.andi %ne3A_1179, %ne3A_1174 : i1
        %add3A_1181 = arith.addi %rem3A_1172, %select_n3A_1171 : i32
        %select_n3A_1182 = arith.select %and3A_1180, %add3A_1181, %rem3A_1172 : i32
        %mul3A_1183 = arith.constant 16 : i32
        %mul3A_1184 = arith.muli %select_n3A_1182, %mul3A_1183 : i32
        %add3A_1185 = vector.broadcast %mul3A_1184 : i32 to vector<16xi32>
        %add3A_1186 = arith.addi %iota3A, %add3A_1185 : vector<16xi32>
        %add3A_1187 = vector.broadcast %mul3A_601 : i32 to vector<16xi32>
        %add3A_1188 = arith.addi %add3A_1186, %add3A_1187 : vector<16xi32>
        %mul3A_1189 = arith.constant 16382 : i32
        %mul3A_1190 = vector.broadcast %mul3A_1189 : i32 to vector<16xi32>
        %mul3A_1191 = arith.muli %mul3A_1190, %add3A_1188 : vector<16xi32>
        %add3A_1192 = arith.constant 1023 : i32
        %add3A_1193 = vector.broadcast %add3A_1192 : i32 to vector<16xi32>
        %add3A_1194 = arith.addi %mul3A_1191, %add3A_1193 : vector<16xi32>
        %jit3A_1195 = arith.constant 2046 : i32
        %div3A_1196 = vector.broadcast %jit3A_1195 : i32 to vector<16xi32>
        %div3A_1197 = arith.divsi %add3A_1194, %div3A_1196 : vector<16xi32>
        %sign3A_1198 = arith.constant 0 : i32
        %sign3A_1199 = vector.broadcast %sign3A_1198 : i32 to vector<16xi32>
        %sign3A_1200 = arith.cmpi sgt, %add3A_1194, %sign3A_1199 : vector<16xi32>
        %sign3A_1201 = arith.extui %sign3A_1200 : vector<16xi1> to vector<16xi32>
        %sign3A_1202 = arith.constant 0 : i32
        %sign3A_1203 = vector.broadcast %sign3A_1202 : i32 to vector<16xi32>
        %sign3A_1204 = arith.cmpi slt, %add3A_1194, %sign3A_1203 : vector<16xi32>
        %sign3A_1205 = arith.extui %sign3A_1204 : vector<16xi1> to vector<16xi32>
        %sign3A_1206 = arith.subi %sign3A_1201, %sign3A_1205 : vector<16xi32>
        %sign3A_1207 = arith.constant 0 : i32
        %sign3A_1208 = arith.cmpi sgt, %jit3A_1195, %sign3A_1207 : i32
        %sign3A_1209 = arith.extui %sign3A_1208 : i1 to i32
        %sign3A_1210 = arith.constant 0 : i32
        %sign3A_1211 = arith.cmpi slt, %jit3A_1195, %sign3A_1210 : i32
        %sign3A_1212 = arith.extui %sign3A_1211 : i1 to i32
        %sign3A_1213 = arith.subi %sign3A_1209, %sign3A_1212 : i32
        %ne3A_1214 = vector.broadcast %sign3A_1213 : i32 to vector<16xi32>
        %ne3A_1215 = arith.cmpi ne, %sign3A_1206, %ne3A_1214 : vector<16xi32>
        %rem3A_1216 = vector.broadcast %jit3A_1195 : i32 to vector<16xi32>
        %rem3A_1217 = arith.remsi %add3A_1194, %rem3A_1216 : vector<16xi32>
        %ne3A_1218 = arith.constant 0 : i32
        %ne3A_1219 = vector.broadcast %ne3A_1218 : i32 to vector<16xi32>
        %ne3A_1220 = arith.cmpi ne, %rem3A_1217, %ne3A_1219 : vector<16xi32>
        %and3A_1221 = arith.andi %ne3A_1215, %ne3A_1220 : vector<16xi1>
        %sub3A_1222 = arith.constant 1 : i32
        %sub3A_1223 = vector.broadcast %sub3A_1222 : i32 to vector<16xi32>
        %sub3A_1224 = arith.subi %div3A_1197, %sub3A_1223 : vector<16xi32>
        %select_n3A_1225 = arith.select %and3A_1221, %sub3A_1224, %div3A_1197 : vector<16xi1>, vector<16xi32>
        %sub3A_1226 = vector.broadcast %mul3A_603 : i32 to vector<16xi32>
        %sub3A_1227 = arith.subi %select_n3A_1225, %sub3A_1226 : vector<16xi32>
        %broadcast_in_dim3A_1228 = arith.constant 0 : i32
        %broadcast_in_dim3A_1229 = vector.broadcast %broadcast_in_dim3A_1228 : i32 to vector<16xi32>
        %add3A_1230 = vector.broadcast %select_n3A_1166 : i32 to vector<16xi32>
        %add3A_1231 = arith.addi %broadcast_in_dim3A_1229, %add3A_1230 : vector<16xi32>
        %gather3A_1232 = arith.constant 0 : i32
        %gather3A_1233 = arith.constant 0 : i32
        %gather3A_1234 = arith.constant 0 : i32
        %gather3A_1235 = tpu.memref_slice %arg4[%gather3A_1232, %gather3A_1233, %gather3A_1234] : memref<2x8x4096xf32, #tpu.memory_space<vmem>> -> memref<1x8x4096xf32, #tpu.memory_space<vmem>>
        %gather3A_1236 = tpu.memref_squeeze %gather3A_1235 : memref<1x8x4096xf32, #tpu.memory_space<vmem>> -> memref<8x4096xf32, #tpu.memory_space<vmem>>
        %gather3A_1237 = tpu.vector_load_idx %gather3A_1236[%add3A_1231, %sub3A_1227] : memref<8x4096xf32, #tpu.memory_space<vmem>>[vector<16xi32>, vector<16xi32>], vector<16xf32>,
        %mul3A_1238 = arith.constant 16 : i32
        %mul3A_1239 = arith.muli %select_n3A_1182, %mul3A_1238 : i32
        %swap3A_1240 = arith.constant 0 : i32
        %swap3A_1241 = arith.index_cast %swap3A_1240 : i32 to index
        %swap3A_1242 = arith.index_cast %select_n3A_1166 : i32 to index
        %swap3A_1243 = arith.index_cast %mul3A_1239 : i32 to index
        %swap3A_1244 = tpu.vector_load %arg5[%swap3A_1241, %swap3A_1242, %swap3A_1243] {strides = array<i32>} : memref<2x8x512xf32, #tpu.memory_space<vmem>>, vector<16xf32>,
        tpu.vector_store %arg5[%swap3A_1241, %swap3A_1242, %swap3A_1243], %gather3A_1237 {strides = array<i32>} : memref<2x8x512xf32, #tpu.memory_space<vmem>>, vector<16xf32>,
        %scan3A_1245 = arith.constant 0 : i32
        %scan3A_1246 = arith.constant 2 : i32
        %scan3A_1247 = arith.addi %scan3A_1039, %scan3A_1246 : i32
        %jit3A_1248 = arith.constant 32 : i32
        %div3A_1249 = arith.divsi %scan3A_1247, %jit3A_1248 : i32
        %sign3A_1250 = arith.constant 0 : i32
        %sign3A_1251 = arith.cmpi sgt, %scan3A_1247, %sign3A_1250 : i32
        %sign3A_1252 = arith.extui %sign3A_1251 : i1 to i32
        %sign3A_1253 = arith.constant 0 : i32
        %sign3A_1254 = arith.cmpi slt, %scan3A_1247, %sign3A_1253 : i32
        %sign3A_1255 = arith.extui %sign3A_1254 : i1 to i32
        %sign3A_1256 = arith.subi %sign3A_1252, %sign3A_1255 : i32
        %sign3A_1257 = arith.constant 0 : i32
        %sign3A_1258 = arith.cmpi sgt, %jit3A_1248, %sign3A_1257 : i32
        %sign3A_1259 = arith.extui %sign3A_1258 : i1 to i32
        %sign3A_1260 = arith.constant 0 : i32
        %sign3A_1261 = arith.cmpi slt, %jit3A_1248, %sign3A_1260 : i32
        %sign3A_1262 = arith.extui %sign3A_1261 : i1 to i32
        %sign3A_1263 = arith.subi %sign3A_1259, %sign3A_1262 : i32
        %ne3A_1264 = arith.cmpi ne, %sign3A_1256, %sign3A_1263 : i32
        %rem3A_1265 = arith.remsi %scan3A_1247, %jit3A_1248 : i32
        %ne3A_1266 = arith.constant 0 : i32
        %ne3A_1267 = arith.cmpi ne, %rem3A_1265, %ne3A_1266 : i32
        %and3A_1268 = arith.andi %ne3A_1264, %ne3A_1267 : i1
        %sub3A_1269 = arith.constant 1 : i32
        %sub3A_1270 = arith.subi %div3A_1249, %sub3A_1269 : i32
        %select_n3A_1271 = arith.select %and3A_1268, %sub3A_1270, %div3A_1249 : i32
        %jit3A_1272 = arith.constant 32 : i32
        %eq3A_1273 = arith.constant 0 : i32
        %eq3A_1274 = arith.cmpi eq, %jit3A_1272, %eq3A_1273 : i32
        %jit3A_1275 = arith.constant 1 : i32
        %select_n3A_1276 = arith.select %eq3A_1274, %jit3A_1275, %jit3A_1272 : i32
        %rem3A_1277 = arith.remsi %scan3A_1247, %select_n3A_1276 : i32
        %ne3A_1278 = arith.constant 0 : i32
        %ne3A_1279 = arith.cmpi ne, %rem3A_1277, %ne3A_1278 : i32
        %lt3A_1280 = arith.constant 0 : i32
        %lt3A_1281 = arith.cmpi slt, %rem3A_1277, %lt3A_1280 : i32
        %lt3A_1282 = arith.constant 0 : i32
        %lt3A_1283 = arith.cmpi slt, %select_n3A_1276, %lt3A_1282 : i32
        %ne3A_1284 = arith.xori %lt3A_1281, %lt3A_1283 : i1
        %and3A_1285 = arith.andi %ne3A_1284, %ne3A_1279 : i1
        %add3A_1286 = arith.addi %rem3A_1277, %select_n3A_1276 : i32
        %select_n3A_1287 = arith.select %and3A_1285, %add3A_1286, %rem3A_1277 : i32
        %mul3A_1288 = arith.constant 16 : i32
        %mul3A_1289 = arith.muli %select_n3A_1287, %mul3A_1288 : i32
        %add3A_1290 = vector.broadcast %mul3A_1289 : i32 to vector<16xi32>
        %add3A_1291 = arith.addi %iota3A, %add3A_1290 : vector<16xi32>
        %add3A_1292 = vector.broadcast %mul3A_601 : i32 to vector<16xi32>
        %add3A_1293 = arith.addi %add3A_1291, %add3A_1292 : vector<16xi32>
        %mul3A_1294 = arith.constant 16382 : i32
        %mul3A_1295 = vector.broadcast %mul3A_1294 : i32 to vector<16xi32>
        %mul3A_1296 = arith.muli %mul3A_1295, %add3A_1293 : vector<16xi32>
        %add3A_1297 = arith.constant 1023 : i32
        %add3A_1298 = vector.broadcast %add3A_1297 : i32 to vector<16xi32>
        %add3A_1299 = arith.addi %mul3A_1296, %add3A_1298 : vector<16xi32>
        %jit3A_1300 = arith.constant 2046 : i32
        %div3A_1301 = vector.broadcast %jit3A_1300 : i32 to vector<16xi32>
        %div3A_1302 = arith.divsi %add3A_1299, %div3A_1301 : vector<16xi32>
        %sign3A_1303 = arith.constant 0 : i32
        %sign3A_1304 = vector.broadcast %sign3A_1303 : i32 to vector<16xi32>
        %sign3A_1305 = arith.cmpi sgt, %add3A_1299, %sign3A_1304 : vector<16xi32>
        %sign3A_1306 = arith.extui %sign3A_1305 : vector<16xi1> to vector<16xi32>
        %sign3A_1307 = arith.constant 0 : i32
        %sign3A_1308 = vector.broadcast %sign3A_1307 : i32 to vector<16xi32>
        %sign3A_1309 = arith.cmpi slt, %add3A_1299, %sign3A_1308 : vector<16xi32>
        %sign3A_1310 = arith.extui %sign3A_1309 : vector<16xi1> to vector<16xi32>
        %sign3A_1311 = arith.subi %sign3A_1306, %sign3A_1310 : vector<16xi32>
        %sign3A_1312 = arith.constant 0 : i32
        %sign3A_1313 = arith.cmpi sgt, %jit3A_1300, %sign3A_1312 : i32
        %sign3A_1314 = arith.extui %sign3A_1313 : i1 to i32
        %sign3A_1315 = arith.constant 0 : i32
        %sign3A_1316 = arith.cmpi slt, %jit3A_1300, %sign3A_1315 : i32
        %sign3A_1317 = arith.extui %sign3A_1316 : i1 to i32
        %sign3A_1318 = arith.subi %sign3A_1314, %sign3A_1317 : i32
        %ne3A_1319 = vector.broadcast %sign3A_1318 : i32 to vector<16xi32>
        %ne3A_1320 = arith.cmpi ne, %sign3A_1311, %ne3A_1319 : vector<16xi32>
        %rem3A_1321 = vector.broadcast %jit3A_1300 : i32 to vector<16xi32>
        %rem3A_1322 = arith.remsi %add3A_1299, %rem3A_1321 : vector<16xi32>
        %ne3A_1323 = arith.constant 0 : i32
        %ne3A_1324 = vector.broadcast %ne3A_1323 : i32 to vector<16xi32>
        %ne3A_1325 = arith.cmpi ne, %rem3A_1322, %ne3A_1324 : vector<16xi32>
        %and3A_1326 = arith.andi %ne3A_1320, %ne3A_1325 : vector<16xi1>
        %sub3A_1327 = arith.constant 1 : i32
        %sub3A_1328 = vector.broadcast %sub3A_1327 : i32 to vector<16xi32>
        %sub3A_1329 = arith.subi %div3A_1302, %sub3A_1328 : vector<16xi32>
        %select_n3A_1330 = arith.select %and3A_1326, %sub3A_1329, %div3A_1302 : vector<16xi1>, vector<16xi32>
        %sub3A_1331 = vector.broadcast %mul3A_603 : i32 to vector<16xi32>
        %sub3A_1332 = arith.subi %select_n3A_1330, %sub3A_1331 : vector<16xi32>
        %broadcast_in_dim3A_1333 = arith.constant 0 : i32
        %broadcast_in_dim3A_1334 = vector.broadcast %broadcast_in_dim3A_1333 : i32 to vector<16xi32>
        %add3A_1335 = vector.broadcast %select_n3A_1271 : i32 to vector<16xi32>
        %add3A_1336 = arith.addi %broadcast_in_dim3A_1334, %add3A_1335 : vector<16xi32>
        %gather3A_1337 = arith.constant 0 : i32
        %gather3A_1338 = arith.constant 0 : i32
        %gather3A_1339 = arith.constant 0 : i32
        %gather3A_1340 = tpu.memref_slice %arg4[%gather3A_1337, %gather3A_1338, %gather3A_1339] : memref<2x8x4096xf32, #tpu.memory_space<vmem>> -> memref<1x8x4096xf32, #tpu.memory_space<vmem>>
        %gather3A_1341 = tpu.memref_squeeze %gather3A_1340 : memref<1x8x4096xf32, #tpu.memory_space<vmem>> -> memref<8x4096xf32, #tpu.memory_space<vmem>>
        %gather3A_1342 = tpu.vector_load_idx %gather3A_1341[%add3A_1336, %sub3A_1332] : memref<8x4096xf32, #tpu.memory_space<vmem>>[vector<16xi32>, vector<16xi32>], vector<16xf32>,
        %mul3A_1343 = arith.constant 16 : i32
        %mul3A_1344 = arith.muli %select_n3A_1287, %mul3A_1343 : i32
        %swap3A_1345 = arith.constant 0 : i32
        %swap3A_1346 = arith.index_cast %swap3A_1345 : i32 to index
        %swap3A_1347 = arith.index_cast %select_n3A_1271 : i32 to index
        %swap3A_1348 = arith.index_cast %mul3A_1344 : i32 to index
        %swap3A_1349 = tpu.vector_load %arg5[%swap3A_1346, %swap3A_1347, %swap3A_1348] {strides = array<i32>} : memref<2x8x512xf32, #tpu.memory_space<vmem>>, vector<16xf32>,
        tpu.vector_store %arg5[%swap3A_1346, %swap3A_1347, %swap3A_1348], %gather3A_1342 {strides = array<i32>} : memref<2x8x512xf32, #tpu.memory_space<vmem>>, vector<16xf32>,
        %scan3A_1350 = arith.constant 0 : i32
        %scan3A_1351 = arith.constant 3 : i32
        %scan3A_1352 = arith.addi %scan3A_1039, %scan3A_1351 : i32
        %jit3A_1353 = arith.constant 32 : i32
        %div3A_1354 = arith.divsi %scan3A_1352, %jit3A_1353 : i32
        %sign3A_1355 = arith.constant 0 : i32
        %sign3A_1356 = arith.cmpi sgt, %scan3A_1352, %sign3A_1355 : i32
        %sign3A_1357 = arith.extui %sign3A_1356 : i1 to i32
        %sign3A_1358 = arith.constant 0 : i32
        %sign3A_1359 = arith.cmpi slt, %scan3A_1352, %sign3A_1358 : i32
        %sign3A_1360 = arith.extui %sign3A_1359 : i1 to i32
        %sign3A_1361 = arith.subi %sign3A_1357, %sign3A_1360 : i32
        %sign3A_1362 = arith.constant 0 : i32
        %sign3A_1363 = arith.cmpi sgt, %jit3A_1353, %sign3A_1362 : i32
        %sign3A_1364 = arith.extui %sign3A_1363 : i1 to i32
        %sign3A_1365 = arith.constant 0 : i32
        %sign3A_1366 = arith.cmpi slt, %jit3A_1353, %sign3A_1365 : i32
        %sign3A_1367 = arith.extui %sign3A_1366 : i1 to i32
        %sign3A_1368 = arith.subi %sign3A_1364, %sign3A_1367 : i32
        %ne3A_1369 = arith.cmpi ne, %sign3A_1361, %sign3A_1368 : i32
        %rem3A_1370 = arith.remsi %scan3A_1352, %jit3A_1353 : i32
        %ne3A_1371 = arith.constant 0 : i32
        %ne3A_1372 = arith.cmpi ne, %rem3A_1370, %ne3A_1371 : i32
        %and3A_1373 = arith.andi %ne3A_1369, %ne3A_1372 : i1
        %sub3A_1374 = arith.constant 1 : i32
        %sub3A_1375 = arith.subi %div3A_1354, %sub3A_1374 : i32
        %select_n3A_1376 = arith.select %and3A_1373, %sub3A_1375, %div3A_1354 : i32
        %jit3A_1377 = arith.constant 32 : i32
        %eq3A_1378 = arith.constant 0 : i32
        %eq3A_1379 = arith.cmpi eq, %jit3A_1377, %eq3A_1378 : i32
        %jit3A_1380 = arith.constant 1 : i32
        %select_n3A_1381 = arith.select %eq3A_1379, %jit3A_1380, %jit3A_1377 : i32
        %rem3A_1382 = arith.remsi %scan3A_1352, %select_n3A_1381 : i32
        %ne3A_1383 = arith.constant 0 : i32
        %ne3A_1384 = arith.cmpi ne, %rem3A_1382, %ne3A_1383 : i32
        %lt3A_1385 = arith.constant 0 : i32
        %lt3A_1386 = arith.cmpi slt, %rem3A_1382, %lt3A_1385 : i32
        %lt3A_1387 = arith.constant 0 : i32
        %lt3A_1388 = arith.cmpi slt, %select_n3A_1381, %lt3A_1387 : i32
        %ne3A_1389 = arith.xori %lt3A_1386, %lt3A_1388 : i1
        %and3A_1390 = arith.andi %ne3A_1389, %ne3A_1384 : i1
        %add3A_1391 = arith.addi %rem3A_1382, %select_n3A_1381 : i32
        %select_n3A_1392 = arith.select %and3A_1390, %add3A_1391, %rem3A_1382 : i32
        %mul3A_1393 = arith.constant 16 : i32
        %mul3A_1394 = arith.muli %select_n3A_1392, %mul3A_1393 : i32
        %add3A_1395 = vector.broadcast %mul3A_1394 : i32 to vector<16xi32>
        %add3A_1396 = arith.addi %iota3A, %add3A_1395 : vector<16xi32>
        %add3A_1397 = vector.broadcast %mul3A_601 : i32 to vector<16xi32>
        %add3A_1398 = arith.addi %add3A_1396, %add3A_1397 : vector<16xi32>
        %mul3A_1399 = arith.constant 16382 : i32
        %mul3A_1400 = vector.broadcast %mul3A_1399 : i32 to vector<16xi32>
        %mul3A_1401 = arith.muli %mul3A_1400, %add3A_1398 : vector<16xi32>
        %add3A_1402 = arith.constant 1023 : i32
        %add3A_1403 = vector.broadcast %add3A_1402 : i32 to vector<16xi32>
        %add3A_1404 = arith.addi %mul3A_1401, %add3A_1403 : vector<16xi32>
        %jit3A_1405 = arith.constant 2046 : i32
        %div3A_1406 = vector.broadcast %jit3A_1405 : i32 to vector<16xi32>
        %div3A_1407 = arith.divsi %add3A_1404, %div3A_1406 : vector<16xi32>
        %sign3A_1408 = arith.constant 0 : i32
        %sign3A_1409 = vector.broadcast %sign3A_1408 : i32 to vector<16xi32>
        %sign3A_1410 = arith.cmpi sgt, %add3A_1404, %sign3A_1409 : vector<16xi32>
        %sign3A_1411 = arith.extui %sign3A_1410 : vector<16xi1> to vector<16xi32>
        %sign3A_1412 = arith.constant 0 : i32
        %sign3A_1413 = vector.broadcast %sign3A_1412 : i32 to vector<16xi32>
        %sign3A_1414 = arith.cmpi slt, %add3A_1404, %sign3A_1413 : vector<16xi32>
        %sign3A_1415 = arith.extui %sign3A_1414 : vector<16xi1> to vector<16xi32>
        %sign3A_1416 = arith.subi %sign3A_1411, %sign3A_1415 : vector<16xi32>
        %sign3A_1417 = arith.constant 0 : i32
        %sign3A_1418 = arith.cmpi sgt, %jit3A_1405, %sign3A_1417 : i32
        %sign3A_1419 = arith.extui %sign3A_1418 : i1 to i32
        %sign3A_1420 = arith.constant 0 : i32
        %sign3A_1421 = arith.cmpi slt, %jit3A_1405, %sign3A_1420 : i32
        %sign3A_1422 = arith.extui %sign3A_1421 : i1 to i32
        %sign3A_1423 = arith.subi %sign3A_1419, %sign3A_1422 : i32
        %ne3A_1424 = vector.broadcast %sign3A_1423 : i32 to vector<16xi32>
        %ne3A_1425 = arith.cmpi ne, %sign3A_1416, %ne3A_1424 : vector<16xi32>
        %rem3A_1426 = vector.broadcast %jit3A_1405 : i32 to vector<16xi32>
        %rem3A_1427 = arith.remsi %add3A_1404, %rem3A_1426 : vector<16xi32>
        %ne3A_1428 = arith.constant 0 : i32
        %ne3A_1429 = vector.broadcast %ne3A_1428 : i32 to vector<16xi32>
        %ne3A_1430 = arith.cmpi ne, %rem3A_1427, %ne3A_1429 : vector<16xi32>
        %and3A_1431 = arith.andi %ne3A_1425, %ne3A_1430 : vector<16xi1>
        %sub3A_1432 = arith.constant 1 : i32
        %sub3A_1433 = vector.broadcast %sub3A_1432 : i32 to vector<16xi32>
        %sub3A_1434 = arith.subi %div3A_1407, %sub3A_1433 : vector<16xi32>
        %select_n3A_1435 = arith.select %and3A_1431, %sub3A_1434, %div3A_1407 : vector<16xi1>, vector<16xi32>
        %sub3A_1436 = vector.broadcast %mul3A_603 : i32 to vector<16xi32>
        %sub3A_1437 = arith.subi %select_n3A_1435, %sub3A_1436 : vector<16xi32>
        %broadcast_in_dim3A_1438 = arith.constant 0 : i32
        %broadcast_in_dim3A_1439 = vector.broadcast %broadcast_in_dim3A_1438 : i32 to vector<16xi32>
        %add3A_1440 = vector.broadcast %select_n3A_1376 : i32 to vector<16xi32>
        %add3A_1441 = arith.addi %broadcast_in_dim3A_1439, %add3A_1440 : vector<16xi32>
        %gather3A_1442 = arith.constant 0 : i32
        %gather3A_1443 = arith.constant 0 : i32
        %gather3A_1444 = arith.constant 0 : i32
        %gather3A_1445 = tpu.memref_slice %arg4[%gather3A_1442, %gather3A_1443, %gather3A_1444] : memref<2x8x4096xf32, #tpu.memory_space<vmem>> -> memref<1x8x4096xf32, #tpu.memory_space<vmem>>
        %gather3A_1446 = tpu.memref_squeeze %gather3A_1445 : memref<1x8x4096xf32, #tpu.memory_space<vmem>> -> memref<8x4096xf32, #tpu.memory_space<vmem>>
        %gather3A_1447 = tpu.vector_load_idx %gather3A_1446[%add3A_1441, %sub3A_1437] : memref<8x4096xf32, #tpu.memory_space<vmem>>[vector<16xi32>, vector<16xi32>], vector<16xf32>,
        %mul3A_1448 = arith.constant 16 : i32
        %mul3A_1449 = arith.muli %select_n3A_1392, %mul3A_1448 : i32
        %swap3A_1450 = arith.constant 0 : i32
        %swap3A_1451 = arith.index_cast %swap3A_1450 : i32 to index
        %swap3A_1452 = arith.index_cast %select_n3A_1376 : i32 to index
        %swap3A_1453 = arith.index_cast %mul3A_1449 : i32 to index
        %swap3A_1454 = tpu.vector_load %arg5[%swap3A_1451, %swap3A_1452, %swap3A_1453] {strides = array<i32>} : memref<2x8x512xf32, #tpu.memory_space<vmem>>, vector<16xf32>,
        tpu.vector_store %arg5[%swap3A_1451, %swap3A_1452, %swap3A_1453], %gather3A_1447 {strides = array<i32>} : memref<2x8x512xf32, #tpu.memory_space<vmem>>, vector<16xf32>,
        %scan3A_1455 = arith.constant 0 : i32
        scf.yield %scan3A_1455 : i32
      }
      %scan3A_610 = arith.constant 256 : i32
      %mul3A_611 = arith.constant 32 : i32
      %mul3A_612 = arith.muli %mul3A_611, %add3A_406 : i32
      %add3A_613 = arith.addi %add3A, %mul3A_612 : i32
      %min3A_614 = arith.constant 407 : i32
      %min3A_615 = arith.minsi %add3A_613, %min3A_614 : i32
      %jit3A_616 = arith.constant 136 : i32
      %div3A_617 = arith.divsi %min3A_615, %jit3A_616 : i32
      %sign3A_618 = arith.constant 0 : i32
      %sign3A_619 = arith.cmpi sgt, %min3A_615, %sign3A_618 : i32
      %sign3A_620 = arith.extui %sign3A_619 : i1 to i32
      %sign3A_621 = arith.constant 0 : i32
      %sign3A_622 = arith.cmpi slt, %min3A_615, %sign3A_621 : i32
      %sign3A_623 = arith.extui %sign3A_622 : i1 to i32
      %sign3A_624 = arith.subi %sign3A_620, %sign3A_623 : i32
      %sign3A_625 = arith.constant 0 : i32
      %sign3A_626 = arith.cmpi sgt, %jit3A_616, %sign3A_625 : i32
      %sign3A_627 = arith.extui %sign3A_626 : i1 to i32
      %sign3A_628 = arith.constant 0 : i32
      %sign3A_629 = arith.cmpi slt, %jit3A_616, %sign3A_628 : i32
      %sign3A_630 = arith.extui %sign3A_629 : i1 to i32
      %sign3A_631 = arith.subi %sign3A_627, %sign3A_630 : i32
      %ne3A_632 = arith.cmpi ne, %sign3A_624, %sign3A_631 : i32
      %rem3A_633 = arith.remsi %min3A_615, %jit3A_616 : i32
      %ne3A_634 = arith.constant 0 : i32
      %ne3A_635 = arith.cmpi ne, %rem3A_633, %ne3A_634 : i32
      %and3A_636 = arith.andi %ne3A_632, %ne3A_635 : i1
      %sub3A_637 = arith.constant 1 : i32
      %sub3A_638 = arith.subi %div3A_617, %sub3A_637 : i32
      %select_n3A_639 = arith.select %and3A_636, %sub3A_638, %div3A_617 : i32
      %jit3A_640 = arith.constant 136 : i32
      %eq3A_641 = arith.constant 0 : i32
      %eq3A_642 = arith.cmpi eq, %jit3A_640, %eq3A_641 : i32
      %jit3A_643 = arith.constant 1 : i32
      %select_n3A_644 = arith.select %eq3A_642, %jit3A_643, %jit3A_640 : i32
      %rem3A_645 = arith.remsi %min3A_615, %select_n3A_644 : i32
      %ne3A_646 = arith.constant 0 : i32
      %ne3A_647 = arith.cmpi ne, %rem3A_645, %ne3A_646 : i32
      %lt3A_648 = arith.constant 0 : i32
      %lt3A_649 = arith.cmpi slt, %rem3A_645, %lt3A_648 : i32
      %lt3A_650 = arith.constant 0 : i32
      %lt3A_651 = arith.cmpi slt, %select_n3A_644, %lt3A_650 : i32
      %ne3A_652 = arith.xori %lt3A_649, %lt3A_651 : i1
      %and3A_653 = arith.andi %ne3A_652, %ne3A_647 : i1
      %add3A_654 = arith.addi %rem3A_645, %select_n3A_644 : i32
      %select_n3A_655 = arith.select %and3A_653, %add3A_654, %rem3A_645 : i32
      %jit3A_656 = arith.constant 2 : i32
      %div3A_657 = arith.divsi %select_n3A_655, %jit3A_656 : i32
      %sign3A_658 = arith.constant 0 : i32
      %sign3A_659 = arith.cmpi sgt, %select_n3A_655, %sign3A_658 : i32
      %sign3A_660 = arith.extui %sign3A_659 : i1 to i32
      %sign3A_661 = arith.constant 0 : i32
      %sign3A_662 = arith.cmpi slt, %select_n3A_655, %sign3A_661 : i32
      %sign3A_663 = arith.extui %sign3A_662 : i1 to i32
      %sign3A_664 = arith.subi %sign3A_660, %sign3A_663 : i32
      %sign3A_665 = arith.constant 0 : i32
      %sign3A_666 = arith.cmpi sgt, %jit3A_656, %sign3A_665 : i32
      %sign3A_667 = arith.extui %sign3A_666 : i1 to i32
      %sign3A_668 = arith.constant 0 : i32
      %sign3A_669 = arith.cmpi slt, %jit3A_656, %sign3A_668 : i32
      %sign3A_670 = arith.extui %sign3A_669 : i1 to i32
      %sign3A_671 = arith.subi %sign3A_667, %sign3A_670 : i32
      %ne3A_672 = arith.cmpi ne, %sign3A_664, %sign3A_671 : i32
      %rem3A_673 = arith.remsi %select_n3A_655, %jit3A_656 : i32
      %ne3A_674 = arith.constant 0 : i32
      %ne3A_675 = arith.cmpi ne, %rem3A_673, %ne3A_674 : i32
      %and3A_676 = arith.andi %ne3A_672, %ne3A_675 : i1
      %sub3A_677 = arith.constant 1 : i32
      %sub3A_678 = arith.subi %div3A_657, %sub3A_677 : i32
      %select_n3A_679 = arith.select %and3A_676, %sub3A_678, %div3A_657 : i32
      %jit3A_680 = arith.constant 2 : i32
      %eq3A_681 = arith.constant 0 : i32
      %eq3A_682 = arith.cmpi eq, %jit3A_680, %eq3A_681 : i32
      %jit3A_683 = arith.constant 1 : i32
      %select_n3A_684 = arith.select %eq3A_682, %jit3A_683, %jit3A_680 : i32
      %rem3A_685 = arith.remsi %select_n3A_655, %select_n3A_684 : i32
      %ne3A_686 = arith.constant 0 : i32
      %ne3A_687 = arith.cmpi ne, %rem3A_685, %ne3A_686 : i32
      %lt3A_688 = arith.constant 0 : i32
      %lt3A_689 = arith.cmpi slt, %rem3A_685, %lt3A_688 : i32
      %lt3A_690 = arith.constant 0 : i32
      %lt3A_691 = arith.cmpi slt, %select_n3A_684, %lt3A_690 : i32
      %ne3A_692 = arith.xori %lt3A_689, %lt3A_691 : i1
      %and3A_693 = arith.andi %ne3A_692, %ne3A_687 : i1
      %add3A_694 = arith.addi %rem3A_685, %select_n3A_684 : i32
      %select_n3A_695 = arith.select %and3A_693, %add3A_694, %rem3A_685 : i32
      %mul3A_696 = arith.constant 8 : i32
      %mul3A_697 = arith.muli %select_n3A_679, %mul3A_696 : i32
      %multiple_of3A_698 = tpu.assume_multiple %mul3A_697, 8 : i32
      %mul3A_699 = arith.constant 512 : i32
      %mul3A_700 = arith.muli %select_n3A_695, %mul3A_699 : i32
      %dma_start3A_701 = arith.constant 0 : i32
      %dma_start3A_702 = arith.constant 0 : i32
      %dma_start3A_703 = arith.constant 0 : i32
      %dma_start3A_704 = tpu.memref_slice %arg5[%dma_start3A_701, %dma_start3A_702, %dma_start3A_703] : memref<2x8x512xf32, #tpu.memory_space<vmem>> -> memref<1x8x512xf32, #tpu.memory_space<vmem>>
      %dma_start3A_705 = tpu.memref_squeeze %dma_start3A_704 : memref<1x8x512xf32, #tpu.memory_space<vmem>> -> memref<8x512xf32, #tpu.memory_space<vmem>>
      %dma_start3A_706 = tpu.memref_slice %arg3[%select_n3A_639, %multiple_of3A_698, %mul3A_700] : memref<3x543x1024xf32, #tpu.memory_space<hbm>> -> memref<1x8x512xf32, #tpu.memory_space<hbm>>
      %dma_start3A_707 = tpu.memref_squeeze %dma_start3A_706 : memref<1x8x512xf32, #tpu.memory_space<hbm>> -> memref<8x512xf32, #tpu.memory_space<hbm>>
      %dma_start3A_708 = tpu.memref_slice %arg3[%select_n3A_639, %multiple_of3A_698, %mul3A_700] : memref<3x543x1024xf32, #tpu.memory_space<hbm>> -> memref<1x8x512xf32, #tpu.memory_space<hbm>>
      %dma_start3A_709 = tpu.memref_squeeze %dma_start3A_708 : memref<1x8x512xf32, #tpu.memory_space<hbm>> -> memref<8x512xf32, #tpu.memory_space<hbm>>
      %dma_start3A_710 = arith.constant 0 : i32
      %dma_start3A_711 = arith.constant 0 : i32
      %dma_start3A_712 = tpu.memref_slice %arg5[%dma_start3A_701, %dma_start3A_710, %dma_start3A_711] : memref<2x8x512xf32, #tpu.memory_space<vmem>> -> memref<1x8x512xf32, #tpu.memory_space<vmem>>
      %dma_start3A_713 = tpu.memref_squeeze %dma_start3A_712 : memref<1x8x512xf32, #tpu.memory_space<vmem>> -> memref<8x512xf32, #tpu.memory_space<vmem>>
      tpu.enqueue_dma source(%dma_start3A_713 : memref<8x512xf32, #tpu.memory_space<vmem>>) target(%dma_start3A_709 : memref<8x512xf32, #tpu.memory_space<hbm>>) target_semaphore(%arg7 : memref<!tpu.dma_semaphore, #tpu.memory_space<semaphore_mem>>)
      %lt3A_714 = arith.constant 6 : i32
      %lt3A_715 = arith.cmpi slt, %scan3A_401, %lt3A_714 : i32
      %convert_element_type3A_716 = arith.extui %lt3A_715 : i1 to i32
      %cond3A_717 = arith.constant 0 : i32
      %cond3A_718 = arith.cmpi ne, %convert_element_type3A_716, %cond3A_717 : i32
      scf.if %cond3A_718 {
        %add3A_1039 = arith.constant 2 : i32
        %add3A_1040 = arith.addi %add3A_406, %add3A_1039 : i32
        %mul3A_1041 = arith.constant 32 : i32
        %mul3A_1042 = arith.muli %mul3A_1041, %add3A_1040 : i32
        %add3A_1043 = arith.addi %add3A, %mul3A_1042 : i32
        %min3A_1044 = arith.constant 407 : i32
        %min3A_1045 = arith.minsi %add3A_1043, %min3A_1044 : i32
        %jit3A_1046 = arith.constant 136 : i32
        %div3A_1047 = arith.divsi %min3A_1045, %jit3A_1046 : i32
        %sign3A_1048 = arith.constant 0 : i32
        %sign3A_1049 = arith.cmpi sgt, %min3A_1045, %sign3A_1048 : i32
        %sign3A_1050 = arith.extui %sign3A_1049 : i1 to i32
        %sign3A_1051 = arith.constant 0 : i32
        %sign3A_1052 = arith.cmpi slt, %min3A_1045, %sign3A_1051 : i32
        %sign3A_1053 = arith.extui %sign3A_1052 : i1 to i32
        %sign3A_1054 = arith.subi %sign3A_1050, %sign3A_1053 : i32
        %sign3A_1055 = arith.constant 0 : i32
        %sign3A_1056 = arith.cmpi sgt, %jit3A_1046, %sign3A_1055 : i32
        %sign3A_1057 = arith.extui %sign3A_1056 : i1 to i32
        %sign3A_1058 = arith.constant 0 : i32
        %sign3A_1059 = arith.cmpi slt, %jit3A_1046, %sign3A_1058 : i32
        %sign3A_1060 = arith.extui %sign3A_1059 : i1 to i32
        %sign3A_1061 = arith.subi %sign3A_1057, %sign3A_1060 : i32
        %ne3A_1062 = arith.cmpi ne, %sign3A_1054, %sign3A_1061 : i32
        %rem3A_1063 = arith.remsi %min3A_1045, %jit3A_1046 : i32
        %ne3A_1064 = arith.constant 0 : i32
        %ne3A_1065 = arith.cmpi ne, %rem3A_1063, %ne3A_1064 : i32
        %and3A_1066 = arith.andi %ne3A_1062, %ne3A_1065 : i1
        %sub3A_1067 = arith.constant 1 : i32
        %sub3A_1068 = arith.subi %div3A_1047, %sub3A_1067 : i32
        %select_n3A_1069 = arith.select %and3A_1066, %sub3A_1068, %div3A_1047 : i32
        %jit3A_1070 = arith.constant 136 : i32
        %eq3A_1071 = arith.constant 0 : i32
        %eq3A_1072 = arith.cmpi eq, %jit3A_1070, %eq3A_1071 : i32
        %jit3A_1073 = arith.constant 1 : i32
        %select_n3A_1074 = arith.select %eq3A_1072, %jit3A_1073, %jit3A_1070 : i32
        %rem3A_1075 = arith.remsi %min3A_1045, %select_n3A_1074 : i32
        %ne3A_1076 = arith.constant 0 : i32
        %ne3A_1077 = arith.cmpi ne, %rem3A_1075, %ne3A_1076 : i32
        %lt3A_1078 = arith.constant 0 : i32
        %lt3A_1079 = arith.cmpi slt, %rem3A_1075, %lt3A_1078 : i32
        %lt3A_1080 = arith.constant 0 : i32
        %lt3A_1081 = arith.cmpi slt, %select_n3A_1074, %lt3A_1080 : i32
        %ne3A_1082 = arith.xori %lt3A_1079, %lt3A_1081 : i1
        %and3A_1083 = arith.andi %ne3A_1082, %ne3A_1077 : i1
        %add3A_1084 = arith.addi %rem3A_1075, %select_n3A_1074 : i32
        %select_n3A_1085 = arith.select %and3A_1083, %add3A_1084, %rem3A_1075 : i32
        %jit3A_1086 = arith.constant 2 : i32
        %div3A_1087 = arith.divsi %select_n3A_1085, %jit3A_1086 : i32
        %sign3A_1088 = arith.constant 0 : i32
        %sign3A_1089 = arith.cmpi sgt, %select_n3A_1085, %sign3A_1088 : i32
        %sign3A_1090 = arith.extui %sign3A_1089 : i1 to i32
        %sign3A_1091 = arith.constant 0 : i32
        %sign3A_1092 = arith.cmpi slt, %select_n3A_1085, %sign3A_1091 : i32
        %sign3A_1093 = arith.extui %sign3A_1092 : i1 to i32
        %sign3A_1094 = arith.subi %sign3A_1090, %sign3A_1093 : i32
        %sign3A_1095 = arith.constant 0 : i32
        %sign3A_1096 = arith.cmpi sgt, %jit3A_1086, %sign3A_1095 : i32
        %sign3A_1097 = arith.extui %sign3A_1096 : i1 to i32
        %sign3A_1098 = arith.constant 0 : i32
        %sign3A_1099 = arith.cmpi slt, %jit3A_1086, %sign3A_1098 : i32
        %sign3A_1100 = arith.extui %sign3A_1099 : i1 to i32
        %sign3A_1101 = arith.subi %sign3A_1097, %sign3A_1100 : i32
        %ne3A_1102 = arith.cmpi ne, %sign3A_1094, %sign3A_1101 : i32
        %rem3A_1103 = arith.remsi %select_n3A_1085, %jit3A_1086 : i32
        %ne3A_1104 = arith.constant 0 : i32
        %ne3A_1105 = arith.cmpi ne, %rem3A_1103, %ne3A_1104 : i32
        %and3A_1106 = arith.andi %ne3A_1102, %ne3A_1105 : i1
        %sub3A_1107 = arith.constant 1 : i32
        %sub3A_1108 = arith.subi %div3A_1087, %sub3A_1107 : i32
        %select_n3A_1109 = arith.select %and3A_1106, %sub3A_1108, %div3A_1087 : i32
        %jit3A_1110 = arith.constant 2 : i32
        %eq3A_1111 = arith.constant 0 : i32
        %eq3A_1112 = arith.cmpi eq, %jit3A_1110, %eq3A_1111 : i32
        %jit3A_1113 = arith.constant 1 : i32
        %select_n3A_1114 = arith.select %eq3A_1112, %jit3A_1113, %jit3A_1110 : i32
        %rem3A_1115 = arith.remsi %select_n3A_1085, %select_n3A_1114 : i32
        %ne3A_1116 = arith.constant 0 : i32
        %ne3A_1117 = arith.cmpi ne, %rem3A_1115, %ne3A_1116 : i32
        %lt3A_1118 = arith.constant 0 : i32
        %lt3A_1119 = arith.cmpi slt, %rem3A_1115, %lt3A_1118 : i32
        %lt3A_1120 = arith.constant 0 : i32
        %lt3A_1121 = arith.cmpi slt, %select_n3A_1114, %lt3A_1120 : i32
        %ne3A_1122 = arith.xori %lt3A_1119, %lt3A_1121 : i1
        %and3A_1123 = arith.andi %ne3A_1122, %ne3A_1117 : i1
        %add3A_1124 = arith.addi %rem3A_1115, %select_n3A_1114 : i32
        %select_n3A_1125 = arith.select %and3A_1123, %add3A_1124, %rem3A_1115 : i32
        %mul3A_1126 = arith.constant 8 : i32
        %mul3A_1127 = arith.muli %select_n3A_1109, %mul3A_1126 : i32
        %multiple_of3A_1128 = tpu.assume_multiple %mul3A_1127, 8 : i32
        %mul3A_1129 = arith.constant 4096 : i32
        %mul3A_1130 = arith.muli %select_n3A_1125, %mul3A_1129 : i32
        %dma_start3A_1131 = arith.constant 0 : i32
        %dma_start3A_1132 = arith.constant 0 : i32
        %dma_start3A_1133 = arith.constant 0 : i32
        %dma_start3A_1134 = tpu.memref_slice %arg4[%dma_start3A_1131, %dma_start3A_1132, %dma_start3A_1133] : memref<2x8x4096xf32, #tpu.memory_space<vmem>> -> memref<1x8x4096xf32, #tpu.memory_space<vmem>>
        %dma_start3A_1135 = tpu.memref_squeeze %dma_start3A_1134 : memref<1x8x4096xf32, #tpu.memory_space<vmem>> -> memref<8x4096xf32, #tpu.memory_space<vmem>>
        %dma_start3A_1136 = tpu.memref_slice %arg2[%select_n3A_1069, %multiple_of3A_1128, %mul3A_1130] : memref<3x543x8192xf32, #tpu.memory_space<hbm>> -> memref<1x8x4096xf32, #tpu.memory_space<hbm>>
        %dma_start3A_1137 = tpu.memref_squeeze %dma_start3A_1136 : memref<1x8x4096xf32, #tpu.memory_space<hbm>> -> memref<8x4096xf32, #tpu.memory_space<hbm>>
        %dma_start3A_1138 = arith.constant 0 : i32
        %dma_start3A_1139 = arith.constant 0 : i32
        %dma_start3A_1140 = tpu.memref_slice %arg4[%dma_start3A_1131, %dma_start3A_1138, %dma_start3A_1139] : memref<2x8x4096xf32, #tpu.memory_space<vmem>> -> memref<1x8x4096xf32, #tpu.memory_space<vmem>>
        %dma_start3A_1141 = tpu.memref_squeeze %dma_start3A_1140 : memref<1x8x4096xf32, #tpu.memory_space<vmem>> -> memref<8x4096xf32, #tpu.memory_space<vmem>>
        %dma_start3A_1142 = tpu.memref_slice %arg2[%select_n3A_1069, %multiple_of3A_1128, %mul3A_1130] : memref<3x543x8192xf32, #tpu.memory_space<hbm>> -> memref<1x8x4096xf32, #tpu.memory_space<hbm>>
        %dma_start3A_1143 = tpu.memref_squeeze %dma_start3A_1142 : memref<1x8x4096xf32, #tpu.memory_space<hbm>> -> memref<8x4096xf32, #tpu.memory_space<hbm>>
        tpu.enqueue_dma source(%dma_start3A_1143 : memref<8x4096xf32, #tpu.memory_space<hbm>>) target(%dma_start3A_1141 : memref<8x4096xf32, #tpu.memory_space<vmem>>) target_semaphore(%arg6 : memref<!tpu.dma_semaphore, #tpu.memory_space<semaphore_mem>>)
      } else {
      }
      %mul3A_719 = arith.constant 2 : i32
      %mul3A_720 = arith.muli %scan3A_401, %mul3A_719 : i32
      %add3A_721 = arith.constant 1 : i32
      %add3A_722 = arith.addi %mul3A_720, %add3A_721 : i32
      %mul3A_723 = arith.constant 32 : i32
      %mul3A_724 = arith.muli %mul3A_723, %add3A_722 : i32
      %add3A_725 = arith.addi %add3A, %mul3A_724 : i32
      %min3A_726 = arith.constant 407 : i32
      %min3A_727 = arith.minsi %add3A_725, %min3A_726 : i32
      %jit3A_728 = arith.constant 136 : i32
      %div3A_729 = arith.divsi %min3A_727, %jit3A_728 : i32
      %sign3A_730 = arith.constant 0 : i32
      %sign3A_731 = arith.cmpi sgt, %min3A_727, %sign3A_730 : i32
      %sign3A_732 = arith.extui %sign3A_731 : i1 to i32
      %sign3A_733 = arith.constant 0 : i32
      %sign3A_734 = arith.cmpi slt, %min3A_727, %sign3A_733 : i32
      %sign3A_735 = arith.extui %sign3A_734 : i1 to i32
      %sign3A_736 = arith.subi %sign3A_732, %sign3A_735 : i32
      %sign3A_737 = arith.constant 0 : i32
      %sign3A_738 = arith.cmpi sgt, %jit3A_728, %sign3A_737 : i32
      %sign3A_739 = arith.extui %sign3A_738 : i1 to i32
      %sign3A_740 = arith.constant 0 : i32
      %sign3A_741 = arith.cmpi slt, %jit3A_728, %sign3A_740 : i32
      %sign3A_742 = arith.extui %sign3A_741 : i1 to i32
      %sign3A_743 = arith.subi %sign3A_739, %sign3A_742 : i32
      %ne3A_744 = arith.cmpi ne, %sign3A_736, %sign3A_743 : i32
      %rem3A_745 = arith.remsi %min3A_727, %jit3A_728 : i32
      %ne3A_746 = arith.constant 0 : i32
      %ne3A_747 = arith.cmpi ne, %rem3A_745, %ne3A_746 : i32
      %and3A_748 = arith.andi %ne3A_744, %ne3A_747 : i1
      %sub3A_749 = arith.constant 1 : i32
      %sub3A_750 = arith.subi %div3A_729, %sub3A_749 : i32
      %select_n3A_751 = arith.select %and3A_748, %sub3A_750, %div3A_729 : i32
      %jit3A_752 = arith.constant 136 : i32
      %eq3A_753 = arith.constant 0 : i32
      %eq3A_754 = arith.cmpi eq, %jit3A_752, %eq3A_753 : i32
      %jit3A_755 = arith.constant 1 : i32
      %select_n3A_756 = arith.select %eq3A_754, %jit3A_755, %jit3A_752 : i32
      %rem3A_757 = arith.remsi %min3A_727, %select_n3A_756 : i32
      %ne3A_758 = arith.constant 0 : i32
      %ne3A_759 = arith.cmpi ne, %rem3A_757, %ne3A_758 : i32
      %lt3A_760 = arith.constant 0 : i32
      %lt3A_761 = arith.cmpi slt, %rem3A_757, %lt3A_760 : i32
      %lt3A_762 = arith.constant 0 : i32
      %lt3A_763 = arith.cmpi slt, %select_n3A_756, %lt3A_762 : i32
      %ne3A_764 = arith.xori %lt3A_761, %lt3A_763 : i1
      %and3A_765 = arith.andi %ne3A_764, %ne3A_759 : i1
      %add3A_766 = arith.addi %rem3A_757, %select_n3A_756 : i32
      %select_n3A_767 = arith.select %and3A_765, %add3A_766, %rem3A_757 : i32
      %jit3A_768 = arith.constant 2 : i32
      %div3A_769 = arith.divsi %select_n3A_767, %jit3A_768 : i32
      %sign3A_770 = arith.constant 0 : i32
      %sign3A_771 = arith.cmpi sgt, %select_n3A_767, %sign3A_770 : i32
      %sign3A_772 = arith.extui %sign3A_771 : i1 to i32
      %sign3A_773 = arith.constant 0 : i32
      %sign3A_774 = arith.cmpi slt, %select_n3A_767, %sign3A_773 : i32
      %sign3A_775 = arith.extui %sign3A_774 : i1 to i32
      %sign3A_776 = arith.subi %sign3A_772, %sign3A_775 : i32
      %sign3A_777 = arith.constant 0 : i32
      %sign3A_778 = arith.cmpi sgt, %jit3A_768, %sign3A_777 : i32
      %sign3A_779 = arith.extui %sign3A_778 : i1 to i32
      %sign3A_780 = arith.constant 0 : i32
      %sign3A_781 = arith.cmpi slt, %jit3A_768, %sign3A_780 : i32
      %sign3A_782 = arith.extui %sign3A_781 : i1 to i32
      %sign3A_783 = arith.subi %sign3A_779, %sign3A_782 : i32
      %ne3A_784 = arith.cmpi ne, %sign3A_776, %sign3A_783 : i32
      %rem3A_785 = arith.remsi %select_n3A_767, %jit3A_768 : i32
      %ne3A_786 = arith.constant 0 : i32
      %ne3A_787 = arith.cmpi ne, %rem3A_785, %ne3A_786 : i32
      %and3A_788 = arith.andi %ne3A_784, %ne3A_787 : i1
      %sub3A_789 = arith.constant 1 : i32
      %sub3A_790 = arith.subi %div3A_769, %sub3A_789 : i32
      %select_n3A_791 = arith.select %and3A_788, %sub3A_790, %div3A_769 : i32
      %jit3A_792 = arith.constant 2 : i32
      %eq3A_793 = arith.constant 0 : i32
      %eq3A_794 = arith.cmpi eq, %jit3A_792, %eq3A_793 : i32
      %jit3A_795 = arith.constant 1 : i32
      %select_n3A_796 = arith.select %eq3A_794, %jit3A_795, %jit3A_792 : i32
      %rem3A_797 = arith.remsi %select_n3A_767, %select_n3A_796 : i32
      %ne3A_798 = arith.constant 0 : i32
      %ne3A_799 = arith.cmpi ne, %rem3A_797, %ne3A_798 : i32
      %lt3A_800 = arith.constant 0 : i32
      %lt3A_801 = arith.cmpi slt, %rem3A_797, %lt3A_800 : i32
      %lt3A_802 = arith.constant 0 : i32
      %lt3A_803 = arith.cmpi slt, %select_n3A_796, %lt3A_802 : i32
      %ne3A_804 = arith.xori %lt3A_801, %lt3A_803 : i1
      %and3A_805 = arith.andi %ne3A_804, %ne3A_799 : i1
      %add3A_806 = arith.addi %rem3A_797, %select_n3A_796 : i32
      %select_n3A_807 = arith.select %and3A_805, %add3A_806, %rem3A_797 : i32
      %mul3A_808 = arith.constant 8 : i32
      %mul3A_809 = arith.muli %select_n3A_791, %mul3A_808 : i32
      %multiple_of3A_810 = tpu.assume_multiple %mul3A_809, 8 : i32
      %mul3A_811 = arith.constant 4096 : i32
      %mul3A_812 = arith.muli %select_n3A_807, %mul3A_811 : i32
      %dma_wait3A_813 = arith.constant 1 : i32
      %dma_wait3A_814 = arith.constant 0 : i32
      %dma_wait3A_815 = arith.constant 0 : i32
      %dma_wait3A_816 = tpu.memref_slice %arg4[%dma_wait3A_813, %dma_wait3A_814, %dma_wait3A_815] : memref<2x8x4096xf32, #tpu.memory_space<vmem>> -> memref<1x8x4096xf32, #tpu.memory_space<vmem>>
      %dma_wait3A_817 = tpu.memref_squeeze %dma_wait3A_816 : memref<1x8x4096xf32, #tpu.memory_space<vmem>> -> memref<8x4096xf32, #tpu.memory_space<vmem>>
      %dma_wait3A_818 = tpu.memref_slice %arg2[%select_n3A_751, %multiple_of3A_810, %mul3A_812] : memref<3x543x8192xf32, #tpu.memory_space<hbm>> -> memref<1x8x4096xf32, #tpu.memory_space<hbm>>
      %dma_wait3A_819 = tpu.memref_squeeze %dma_wait3A_818 : memref<1x8x4096xf32, #tpu.memory_space<hbm>> -> memref<8x4096xf32, #tpu.memory_space<hbm>>
      %dma_wait3A_820 = arith.constant 0 : i32
      %dma_wait3A_821 = arith.constant 0 : i32
      %dma_wait3A_822 = tpu.memref_slice %arg4[%dma_wait3A_813, %dma_wait3A_820, %dma_wait3A_821] : memref<2x8x4096xf32, #tpu.memory_space<vmem>> -> memref<1x8x4096xf32, #tpu.memory_space<vmem>>
      %dma_wait3A_823 = tpu.memref_squeeze %dma_wait3A_822 : memref<1x8x4096xf32, #tpu.memory_space<vmem>> -> memref<8x4096xf32, #tpu.memory_space<vmem>>
      %dma_wait3A_824 = tpu.memref_slice %arg2[%select_n3A_751, %multiple_of3A_810, %mul3A_812] : memref<3x543x8192xf32, #tpu.memory_space<hbm>> -> memref<1x8x4096xf32, #tpu.memory_space<hbm>>
      %dma_wait3A_825 = tpu.memref_squeeze %dma_wait3A_824 : memref<1x8x4096xf32, #tpu.memory_space<hbm>> -> memref<8x4096xf32, #tpu.memory_space<hbm>>
      tpu.wait_dma2 semaphore(%arg6 : memref<!tpu.dma_semaphore, #tpu.memory_space<semaphore_mem>>) src(%dma_wait3A_825 : memref<8x4096xf32, #tpu.memory_space<hbm>>) dst(%dma_wait3A_823 : memref<8x4096xf32, #tpu.memory_space<vmem>>)
      %gt3A_826 = arith.constant 0 : i32
      %gt3A_827 = arith.cmpi sgt, %scan3A_401, %gt3A_826 : i32
      %convert_element_type3A_828 = arith.extui %gt3A_827 : i1 to i32
      %cond3A_829 = arith.constant 0 : i32
      %cond3A_830 = arith.cmpi ne, %convert_element_type3A_828, %cond3A_829 : i32
      scf.if %cond3A_830 {
        %sub3A_1039 = arith.constant 2 : i32
        %sub3A_1040 = arith.subi %add3A_722, %sub3A_1039 : i32
        %mul3A_1041 = arith.constant 32 : i32
        %mul3A_1042 = arith.muli %mul3A_1041, %sub3A_1040 : i32
        %add3A_1043 = arith.addi %add3A, %mul3A_1042 : i32
        %min3A_1044 = arith.constant 407 : i32
        %min3A_1045 = arith.minsi %add3A_1043, %min3A_1044 : i32
        %jit3A_1046 = arith.constant 136 : i32
        %div3A_1047 = arith.divsi %min3A_1045, %jit3A_1046 : i32
        %sign3A_1048 = arith.constant 0 : i32
        %sign3A_1049 = arith.cmpi sgt, %min3A_1045, %sign3A_1048 : i32
        %sign3A_1050 = arith.extui %sign3A_1049 : i1 to i32
        %sign3A_1051 = arith.constant 0 : i32
        %sign3A_1052 = arith.cmpi slt, %min3A_1045, %sign3A_1051 : i32
        %sign3A_1053 = arith.extui %sign3A_1052 : i1 to i32
        %sign3A_1054 = arith.subi %sign3A_1050, %sign3A_1053 : i32
        %sign3A_1055 = arith.constant 0 : i32
        %sign3A_1056 = arith.cmpi sgt, %jit3A_1046, %sign3A_1055 : i32
        %sign3A_1057 = arith.extui %sign3A_1056 : i1 to i32
        %sign3A_1058 = arith.constant 0 : i32
        %sign3A_1059 = arith.cmpi slt, %jit3A_1046, %sign3A_1058 : i32
        %sign3A_1060 = arith.extui %sign3A_1059 : i1 to i32
        %sign3A_1061 = arith.subi %sign3A_1057, %sign3A_1060 : i32
        %ne3A_1062 = arith.cmpi ne, %sign3A_1054, %sign3A_1061 : i32
        %rem3A_1063 = arith.remsi %min3A_1045, %jit3A_1046 : i32
        %ne3A_1064 = arith.constant 0 : i32
        %ne3A_1065 = arith.cmpi ne, %rem3A_1063, %ne3A_1064 : i32
        %and3A_1066 = arith.andi %ne3A_1062, %ne3A_1065 : i1
        %sub3A_1067 = arith.constant 1 : i32
        %sub3A_1068 = arith.subi %div3A_1047, %sub3A_1067 : i32
        %select_n3A_1069 = arith.select %and3A_1066, %sub3A_1068, %div3A_1047 : i32
        %jit3A_1070 = arith.constant 136 : i32
        %eq3A_1071 = arith.constant 0 : i32
        %eq3A_1072 = arith.cmpi eq, %jit3A_1070, %eq3A_1071 : i32
        %jit3A_1073 = arith.constant 1 : i32
        %select_n3A_1074 = arith.select %eq3A_1072, %jit3A_1073, %jit3A_1070 : i32
        %rem3A_1075 = arith.remsi %min3A_1045, %select_n3A_1074 : i32
        %ne3A_1076 = arith.constant 0 : i32
        %ne3A_1077 = arith.cmpi ne, %rem3A_1075, %ne3A_1076 : i32
        %lt3A_1078 = arith.constant 0 : i32
        %lt3A_1079 = arith.cmpi slt, %rem3A_1075, %lt3A_1078 : i32
        %lt3A_1080 = arith.constant 0 : i32
        %lt3A_1081 = arith.cmpi slt, %select_n3A_1074, %lt3A_1080 : i32
        %ne3A_1082 = arith.xori %lt3A_1079, %lt3A_1081 : i1
        %and3A_1083 = arith.andi %ne3A_1082, %ne3A_1077 : i1
        %add3A_1084 = arith.addi %rem3A_1075, %select_n3A_1074 : i32
        %select_n3A_1085 = arith.select %and3A_1083, %add3A_1084, %rem3A_1075 : i32
        %jit3A_1086 = arith.constant 2 : i32
        %div3A_1087 = arith.divsi %select_n3A_1085, %jit3A_1086 : i32
        %sign3A_1088 = arith.constant 0 : i32
        %sign3A_1089 = arith.cmpi sgt, %select_n3A_1085, %sign3A_1088 : i32
        %sign3A_1090 = arith.extui %sign3A_1089 : i1 to i32
        %sign3A_1091 = arith.constant 0 : i32
        %sign3A_1092 = arith.cmpi slt, %select_n3A_1085, %sign3A_1091 : i32
        %sign3A_1093 = arith.extui %sign3A_1092 : i1 to i32
        %sign3A_1094 = arith.subi %sign3A_1090, %sign3A_1093 : i32
        %sign3A_1095 = arith.constant 0 : i32
        %sign3A_1096 = arith.cmpi sgt, %jit3A_1086, %sign3A_1095 : i32
        %sign3A_1097 = arith.extui %sign3A_1096 : i1 to i32
        %sign3A_1098 = arith.constant 0 : i32
        %sign3A_1099 = arith.cmpi slt, %jit3A_1086, %sign3A_1098 : i32
        %sign3A_1100 = arith.extui %sign3A_1099 : i1 to i32
        %sign3A_1101 = arith.subi %sign3A_1097, %sign3A_1100 : i32
        %ne3A_1102 = arith.cmpi ne, %sign3A_1094, %sign3A_1101 : i32
        %rem3A_1103 = arith.remsi %select_n3A_1085, %jit3A_1086 : i32
        %ne3A_1104 = arith.constant 0 : i32
        %ne3A_1105 = arith.cmpi ne, %rem3A_1103, %ne3A_1104 : i32
        %and3A_1106 = arith.andi %ne3A_1102, %ne3A_1105 : i1
        %sub3A_1107 = arith.constant 1 : i32
        %sub3A_1108 = arith.subi %div3A_1087, %sub3A_1107 : i32
        %select_n3A_1109 = arith.select %and3A_1106, %sub3A_1108, %div3A_1087 : i32
        %jit3A_1110 = arith.constant 2 : i32
        %eq3A_1111 = arith.constant 0 : i32
        %eq3A_1112 = arith.cmpi eq, %jit3A_1110, %eq3A_1111 : i32
        %jit3A_1113 = arith.constant 1 : i32
        %select_n3A_1114 = arith.select %eq3A_1112, %jit3A_1113, %jit3A_1110 : i32
        %rem3A_1115 = arith.remsi %select_n3A_1085, %select_n3A_1114 : i32
        %ne3A_1116 = arith.constant 0 : i32
        %ne3A_1117 = arith.cmpi ne, %rem3A_1115, %ne3A_1116 : i32
        %lt3A_1118 = arith.constant 0 : i32
        %lt3A_1119 = arith.cmpi slt, %rem3A_1115, %lt3A_1118 : i32
        %lt3A_1120 = arith.constant 0 : i32
        %lt3A_1121 = arith.cmpi slt, %select_n3A_1114, %lt3A_1120 : i32
        %ne3A_1122 = arith.xori %lt3A_1119, %lt3A_1121 : i1
        %and3A_1123 = arith.andi %ne3A_1122, %ne3A_1117 : i1
        %add3A_1124 = arith.addi %rem3A_1115, %select_n3A_1114 : i32
        %select_n3A_1125 = arith.select %and3A_1123, %add3A_1124, %rem3A_1115 : i32
        %mul3A_1126 = arith.constant 8 : i32
        %mul3A_1127 = arith.muli %select_n3A_1109, %mul3A_1126 : i32
        %multiple_of3A_1128 = tpu.assume_multiple %mul3A_1127, 8 : i32
        %mul3A_1129 = arith.constant 512 : i32
        %mul3A_1130 = arith.muli %select_n3A_1125, %mul3A_1129 : i32
        %dma_wait3A_1131 = arith.constant 1 : i32
        %dma_wait3A_1132 = arith.constant 0 : i32
        %dma_wait3A_1133 = arith.constant 0 : i32
        %dma_wait3A_1134 = tpu.memref_slice %arg5[%dma_wait3A_1131, %dma_wait3A_1132, %dma_wait3A_1133] : memref<2x8x512xf32, #tpu.memory_space<vmem>> -> memref<1x8x512xf32, #tpu.memory_space<vmem>>
        %dma_wait3A_1135 = tpu.memref_squeeze %dma_wait3A_1134 : memref<1x8x512xf32, #tpu.memory_space<vmem>> -> memref<8x512xf32, #tpu.memory_space<vmem>>
        %dma_wait3A_1136 = tpu.memref_slice %arg3[%select_n3A_1069, %multiple_of3A_1128, %mul3A_1130] : memref<3x543x1024xf32, #tpu.memory_space<hbm>> -> memref<1x8x512xf32, #tpu.memory_space<hbm>>
        %dma_wait3A_1137 = tpu.memref_squeeze %dma_wait3A_1136 : memref<1x8x512xf32, #tpu.memory_space<hbm>> -> memref<8x512xf32, #tpu.memory_space<hbm>>
        %dma_wait3A_1138 = tpu.memref_slice %arg3[%select_n3A_1069, %multiple_of3A_1128, %mul3A_1130] : memref<3x543x1024xf32, #tpu.memory_space<hbm>> -> memref<1x8x512xf32, #tpu.memory_space<hbm>>
        %dma_wait3A_1139 = tpu.memref_squeeze %dma_wait3A_1138 : memref<1x8x512xf32, #tpu.memory_space<hbm>> -> memref<8x512xf32, #tpu.memory_space<hbm>>
        %dma_wait3A_1140 = arith.constant 0 : i32
        %dma_wait3A_1141 = arith.constant 0 : i32
        %dma_wait3A_1142 = tpu.memref_slice %arg5[%dma_wait3A_1131, %dma_wait3A_1140, %dma_wait3A_1141] : memref<2x8x512xf32, #tpu.memory_space<vmem>> -> memref<1x8x512xf32, #tpu.memory_space<vmem>>
        %dma_wait3A_1143 = tpu.memref_squeeze %dma_wait3A_1142 : memref<1x8x512xf32, #tpu.memory_space<vmem>> -> memref<8x512xf32, #tpu.memory_space<vmem>>
        tpu.wait_dma2 semaphore(%arg7 : memref<!tpu.dma_semaphore, #tpu.memory_space<semaphore_mem>>) src(%dma_wait3A_1143 : memref<8x512xf32, #tpu.memory_space<vmem>>) dst(%dma_wait3A_1139 : memref<8x512xf32, #tpu.memory_space<hbm>>)
      } else {
      }
      %mul3A_831 = arith.constant 32 : i32
      %mul3A_832 = arith.muli %mul3A_831, %add3A_722 : i32
      %add3A_833 = arith.addi %add3A, %mul3A_832 : i32
      %min3A_834 = arith.constant 407 : i32
      %min3A_835 = arith.minsi %add3A_833, %min3A_834 : i32
      %jit3A_836 = arith.constant 136 : i32
      %div3A_837 = arith.divsi %min3A_835, %jit3A_836 : i32
      %sign3A_838 = arith.constant 0 : i32
      %sign3A_839 = arith.cmpi sgt, %min3A_835, %sign3A_838 : i32
      %sign3A_840 = arith.extui %sign3A_839 : i1 to i32
      %sign3A_841 = arith.constant 0 : i32
      %sign3A_842 = arith.cmpi slt, %min3A_835, %sign3A_841 : i32
      %sign3A_843 = arith.extui %sign3A_842 : i1 to i32
      %sign3A_844 = arith.subi %sign3A_840, %sign3A_843 : i32
      %sign3A_845 = arith.constant 0 : i32
      %sign3A_846 = arith.cmpi sgt, %jit3A_836, %sign3A_845 : i32
      %sign3A_847 = arith.extui %sign3A_846 : i1 to i32
      %sign3A_848 = arith.constant 0 : i32
      %sign3A_849 = arith.cmpi slt, %jit3A_836, %sign3A_848 : i32
      %sign3A_850 = arith.extui %sign3A_849 : i1 to i32
      %sign3A_851 = arith.subi %sign3A_847, %sign3A_850 : i32
      %ne3A_852 = arith.cmpi ne, %sign3A_844, %sign3A_851 : i32
      %rem3A_853 = arith.remsi %min3A_835, %jit3A_836 : i32
      %ne3A_854 = arith.constant 0 : i32
      %ne3A_855 = arith.cmpi ne, %rem3A_853, %ne3A_854 : i32
      %and3A_856 = arith.andi %ne3A_852, %ne3A_855 : i1
      %sub3A_857 = arith.constant 1 : i32
      %sub3A_858 = arith.subi %div3A_837, %sub3A_857 : i32
      %select_n3A_859 = arith.select %and3A_856, %sub3A_858, %div3A_837 : i32
      %jit3A_860 = arith.constant 136 : i32
      %eq3A_861 = arith.constant 0 : i32
      %eq3A_862 = arith.cmpi eq, %jit3A_860, %eq3A_861 : i32
      %jit3A_863 = arith.constant 1 : i32
      %select_n3A_864 = arith.select %eq3A_862, %jit3A_863, %jit3A_860 : i32
      %rem3A_865 = arith.remsi %min3A_835, %select_n3A_864 : i32
      %ne3A_866 = arith.constant 0 : i32
      %ne3A_867 = arith.cmpi ne, %rem3A_865, %ne3A_866 : i32
      %lt3A_868 = arith.constant 0 : i32
      %lt3A_869 = arith.cmpi slt, %rem3A_865, %lt3A_868 : i32
      %lt3A_870 = arith.constant 0 : i32
      %lt3A_871 = arith.cmpi slt, %select_n3A_864, %lt3A_870 : i32
      %ne3A_872 = arith.xori %lt3A_869, %lt3A_871 : i1
      %and3A_873 = arith.andi %ne3A_872, %ne3A_867 : i1
      %add3A_874 = arith.addi %rem3A_865, %select_n3A_864 : i32
      %select_n3A_875 = arith.select %and3A_873, %add3A_874, %rem3A_865 : i32
      %jit3A_876 = arith.constant 2 : i32
      %div3A_877 = arith.divsi %select_n3A_875, %jit3A_876 : i32
      %sign3A_878 = arith.constant 0 : i32
      %sign3A_879 = arith.cmpi sgt, %select_n3A_875, %sign3A_878 : i32
      %sign3A_880 = arith.extui %sign3A_879 : i1 to i32
      %sign3A_881 = arith.constant 0 : i32
      %sign3A_882 = arith.cmpi slt, %select_n3A_875, %sign3A_881 : i32
      %sign3A_883 = arith.extui %sign3A_882 : i1 to i32
      %sign3A_884 = arith.subi %sign3A_880, %sign3A_883 : i32
      %sign3A_885 = arith.constant 0 : i32
      %sign3A_886 = arith.cmpi sgt, %jit3A_876, %sign3A_885 : i32
      %sign3A_887 = arith.extui %sign3A_886 : i1 to i32
      %sign3A_888 = arith.constant 0 : i32
      %sign3A_889 = arith.cmpi slt, %jit3A_876, %sign3A_888 : i32
      %sign3A_890 = arith.extui %sign3A_889 : i1 to i32
      %sign3A_891 = arith.subi %sign3A_887, %sign3A_890 : i32
      %ne3A_892 = arith.cmpi ne, %sign3A_884, %sign3A_891 : i32
      %rem3A_893 = arith.remsi %select_n3A_875, %jit3A_876 : i32
      %ne3A_894 = arith.constant 0 : i32
      %ne3A_895 = arith.cmpi ne, %rem3A_893, %ne3A_894 : i32
      %and3A_896 = arith.andi %ne3A_892, %ne3A_895 : i1
      %sub3A_897 = arith.constant 1 : i32
      %sub3A_898 = arith.subi %div3A_877, %sub3A_897 : i32
      %select_n3A_899 = arith.select %and3A_896, %sub3A_898, %div3A_877 : i32
      %jit3A_900 = arith.constant 2 : i32
      %eq3A_901 = arith.constant 0 : i32
      %eq3A_902 = arith.cmpi eq, %jit3A_900, %eq3A_901 : i32
      %jit3A_903 = arith.constant 1 : i32
      %select_n3A_904 = arith.select %eq3A_902, %jit3A_903, %jit3A_900 : i32
      %rem3A_905 = arith.remsi %select_n3A_875, %select_n3A_904 : i32
      %ne3A_906 = arith.constant 0 : i32
      %ne3A_907 = arith.cmpi ne, %rem3A_905, %ne3A_906 : i32
      %lt3A_908 = arith.constant 0 : i32
      %lt3A_909 = arith.cmpi slt, %rem3A_905, %lt3A_908 : i32
      %lt3A_910 = arith.constant 0 : i32
      %lt3A_911 = arith.cmpi slt, %select_n3A_904, %lt3A_910 : i32
      %ne3A_912 = arith.xori %lt3A_909, %lt3A_911 : i1
      %and3A_913 = arith.andi %ne3A_912, %ne3A_907 : i1
      %add3A_914 = arith.addi %rem3A_905, %select_n3A_904 : i32
      %select_n3A_915 = arith.select %and3A_913, %add3A_914, %rem3A_905 : i32
      %mul3A_916 = arith.constant 8 : i32
      %mul3A_917 = arith.muli %select_n3A_899, %mul3A_916 : i32
      %multiple_of3A_918 = tpu.assume_multiple %mul3A_917, 8 : i32
      %mul3A_919 = arith.constant 512 : i32
      %mul3A_920 = arith.muli %select_n3A_915, %mul3A_919 : i32
      %mul3A_921 = arith.constant 4096 : i32
      %mul3A_922 = arith.muli %select_n3A_915, %mul3A_921 : i32
      %scan3A_923 = arith.constant 0 : i32
      %scan3A_924 = arith.constant 0 : i32
      %scan3A_925 = arith.constant 256 : i32
      %scan3A_926 = arith.addi %scan3A_924, %scan3A_925 : i32
      %scan3A_927 = arith.constant 4 : i32
      %scan3A_928 = scf.for %scan3A_1039 = %scan3A_924 to %scan3A_926 step %scan3A_927 iter_args(%scan3A_1040 = %scan3A_923) -> (i32)  : i32 {
        %jit3A_1041 = arith.constant 32 : i32
        %div3A_1042 = arith.divsi %scan3A_1039, %jit3A_1041 : i32
        %sign3A_1043 = arith.constant 0 : i32
        %sign3A_1044 = arith.cmpi sgt, %scan3A_1039, %sign3A_1043 : i32
        %sign3A_1045 = arith.extui %sign3A_1044 : i1 to i32
        %sign3A_1046 = arith.constant 0 : i32
        %sign3A_1047 = arith.cmpi slt, %scan3A_1039, %sign3A_1046 : i32
        %sign3A_1048 = arith.extui %sign3A_1047 : i1 to i32
        %sign3A_1049 = arith.subi %sign3A_1045, %sign3A_1048 : i32
        %sign3A_1050 = arith.constant 0 : i32
        %sign3A_1051 = arith.cmpi sgt, %jit3A_1041, %sign3A_1050 : i32
        %sign3A_1052 = arith.extui %sign3A_1051 : i1 to i32
        %sign3A_1053 = arith.constant 0 : i32
        %sign3A_1054 = arith.cmpi slt, %jit3A_1041, %sign3A_1053 : i32
        %sign3A_1055 = arith.extui %sign3A_1054 : i1 to i32
        %sign3A_1056 = arith.subi %sign3A_1052, %sign3A_1055 : i32
        %ne3A_1057 = arith.cmpi ne, %sign3A_1049, %sign3A_1056 : i32
        %rem3A_1058 = arith.remsi %scan3A_1039, %jit3A_1041 : i32
        %ne3A_1059 = arith.constant 0 : i32
        %ne3A_1060 = arith.cmpi ne, %rem3A_1058, %ne3A_1059 : i32
        %and3A_1061 = arith.andi %ne3A_1057, %ne3A_1060 : i1
        %sub3A_1062 = arith.constant 1 : i32
        %sub3A_1063 = arith.subi %div3A_1042, %sub3A_1062 : i32
        %select_n3A_1064 = arith.select %and3A_1061, %sub3A_1063, %div3A_1042 : i32
        %jit3A_1065 = arith.constant 32 : i32
        %eq3A_1066 = arith.constant 0 : i32
        %eq3A_1067 = arith.cmpi eq, %jit3A_1065, %eq3A_1066 : i32
        %jit3A_1068 = arith.constant 1 : i32
        %select_n3A_1069 = arith.select %eq3A_1067, %jit3A_1068, %jit3A_1065 : i32
        %rem3A_1070 = arith.remsi %scan3A_1039, %select_n3A_1069 : i32
        %ne3A_1071 = arith.constant 0 : i32
        %ne3A_1072 = arith.cmpi ne, %rem3A_1070, %ne3A_1071 : i32
        %lt3A_1073 = arith.constant 0 : i32
        %lt3A_1074 = arith.cmpi slt, %rem3A_1070, %lt3A_1073 : i32
        %lt3A_1075 = arith.constant 0 : i32
        %lt3A_1076 = arith.cmpi slt, %select_n3A_1069, %lt3A_1075 : i32
        %ne3A_1077 = arith.xori %lt3A_1074, %lt3A_1076 : i1
        %and3A_1078 = arith.andi %ne3A_1077, %ne3A_1072 : i1
        %add3A_1079 = arith.addi %rem3A_1070, %select_n3A_1069 : i32
        %select_n3A_1080 = arith.select %and3A_1078, %add3A_1079, %rem3A_1070 : i32
        %mul3A_1081 = arith.constant 16 : i32
        %mul3A_1082 = arith.muli %select_n3A_1080, %mul3A_1081 : i32
        %add3A_1083 = vector.broadcast %mul3A_1082 : i32 to vector<16xi32>
        %add3A_1084 = arith.addi %iota3A, %add3A_1083 : vector<16xi32>
        %add3A_1085 = vector.broadcast %mul3A_920 : i32 to vector<16xi32>
        %add3A_1086 = arith.addi %add3A_1084, %add3A_1085 : vector<16xi32>
        %mul3A_1087 = arith.constant 16382 : i32
        %mul3A_1088 = vector.broadcast %mul3A_1087 : i32 to vector<16xi32>
        %mul3A_1089 = arith.muli %mul3A_1088, %add3A_1086 : vector<16xi32>
        %add3A_1090 = arith.constant 1023 : i32
        %add3A_1091 = vector.broadcast %add3A_1090 : i32 to vector<16xi32>
        %add3A_1092 = arith.addi %mul3A_1089, %add3A_1091 : vector<16xi32>
        %jit3A_1093 = arith.constant 2046 : i32
        %div3A_1094 = vector.broadcast %jit3A_1093 : i32 to vector<16xi32>
        %div3A_1095 = arith.divsi %add3A_1092, %div3A_1094 : vector<16xi32>
        %sign3A_1096 = arith.constant 0 : i32
        %sign3A_1097 = vector.broadcast %sign3A_1096 : i32 to vector<16xi32>
        %sign3A_1098 = arith.cmpi sgt, %add3A_1092, %sign3A_1097 : vector<16xi32>
        %sign3A_1099 = arith.extui %sign3A_1098 : vector<16xi1> to vector<16xi32>
        %sign3A_1100 = arith.constant 0 : i32
        %sign3A_1101 = vector.broadcast %sign3A_1100 : i32 to vector<16xi32>
        %sign3A_1102 = arith.cmpi slt, %add3A_1092, %sign3A_1101 : vector<16xi32>
        %sign3A_1103 = arith.extui %sign3A_1102 : vector<16xi1> to vector<16xi32>
        %sign3A_1104 = arith.subi %sign3A_1099, %sign3A_1103 : vector<16xi32>
        %sign3A_1105 = arith.constant 0 : i32
        %sign3A_1106 = arith.cmpi sgt, %jit3A_1093, %sign3A_1105 : i32
        %sign3A_1107 = arith.extui %sign3A_1106 : i1 to i32
        %sign3A_1108 = arith.constant 0 : i32
        %sign3A_1109 = arith.cmpi slt, %jit3A_1093, %sign3A_1108 : i32
        %sign3A_1110 = arith.extui %sign3A_1109 : i1 to i32
        %sign3A_1111 = arith.subi %sign3A_1107, %sign3A_1110 : i32
        %ne3A_1112 = vector.broadcast %sign3A_1111 : i32 to vector<16xi32>
        %ne3A_1113 = arith.cmpi ne, %sign3A_1104, %ne3A_1112 : vector<16xi32>
        %rem3A_1114 = vector.broadcast %jit3A_1093 : i32 to vector<16xi32>
        %rem3A_1115 = arith.remsi %add3A_1092, %rem3A_1114 : vector<16xi32>
        %ne3A_1116 = arith.constant 0 : i32
        %ne3A_1117 = vector.broadcast %ne3A_1116 : i32 to vector<16xi32>
        %ne3A_1118 = arith.cmpi ne, %rem3A_1115, %ne3A_1117 : vector<16xi32>
        %and3A_1119 = arith.andi %ne3A_1113, %ne3A_1118 : vector<16xi1>
        %sub3A_1120 = arith.constant 1 : i32
        %sub3A_1121 = vector.broadcast %sub3A_1120 : i32 to vector<16xi32>
        %sub3A_1122 = arith.subi %div3A_1095, %sub3A_1121 : vector<16xi32>
        %select_n3A_1123 = arith.select %and3A_1119, %sub3A_1122, %div3A_1095 : vector<16xi1>, vector<16xi32>
        %sub3A_1124 = vector.broadcast %mul3A_922 : i32 to vector<16xi32>
        %sub3A_1125 = arith.subi %select_n3A_1123, %sub3A_1124 : vector<16xi32>
        %broadcast_in_dim3A = arith.constant 0 : i32
        %broadcast_in_dim3A_1126 = vector.broadcast %broadcast_in_dim3A : i32 to vector<16xi32>
        %add3A_1127 = vector.broadcast %select_n3A_1064 : i32 to vector<16xi32>
        %add3A_1128 = arith.addi %broadcast_in_dim3A_1126, %add3A_1127 : vector<16xi32>
        %gather3A = arith.constant 1 : i32
        %gather3A_1129 = arith.constant 0 : i32
        %gather3A_1130 = arith.constant 0 : i32
        %gather3A_1131 = tpu.memref_slice %arg4[%gather3A, %gather3A_1129, %gather3A_1130] : memref<2x8x4096xf32, #tpu.memory_space<vmem>> -> memref<1x8x4096xf32, #tpu.memory_space<vmem>>
        %gather3A_1132 = tpu.memref_squeeze %gather3A_1131 : memref<1x8x4096xf32, #tpu.memory_space<vmem>> -> memref<8x4096xf32, #tpu.memory_space<vmem>>
        %gather3A_1133 = tpu.vector_load_idx %gather3A_1132[%add3A_1128, %sub3A_1125] : memref<8x4096xf32, #tpu.memory_space<vmem>>[vector<16xi32>, vector<16xi32>], vector<16xf32>,
        %mul3A_1134 = arith.constant 16 : i32
        %mul3A_1135 = arith.muli %select_n3A_1080, %mul3A_1134 : i32
        %swap3A = arith.constant 1 : i32
        %swap3A_1136 = arith.index_cast %swap3A : i32 to index
        %swap3A_1137 = arith.index_cast %select_n3A_1064 : i32 to index
        %swap3A_1138 = arith.index_cast %mul3A_1135 : i32 to index
        %swap3A_1139 = tpu.vector_load %arg5[%swap3A_1136, %swap3A_1137, %swap3A_1138] {strides = array<i32>} : memref<2x8x512xf32, #tpu.memory_space<vmem>>, vector<16xf32>,
        tpu.vector_store %arg5[%swap3A_1136, %swap3A_1137, %swap3A_1138], %gather3A_1133 {strides = array<i32>} : memref<2x8x512xf32, #tpu.memory_space<vmem>>, vector<16xf32>,
        %scan3A_1140 = arith.constant 0 : i32
        %scan3A_1141 = arith.constant 1 : i32
        %scan3A_1142 = arith.addi %scan3A_1039, %scan3A_1141 : i32
        %jit3A_1143 = arith.constant 32 : i32
        %div3A_1144 = arith.divsi %scan3A_1142, %jit3A_1143 : i32
        %sign3A_1145 = arith.constant 0 : i32
        %sign3A_1146 = arith.cmpi sgt, %scan3A_1142, %sign3A_1145 : i32
        %sign3A_1147 = arith.extui %sign3A_1146 : i1 to i32
        %sign3A_1148 = arith.constant 0 : i32
        %sign3A_1149 = arith.cmpi slt, %scan3A_1142, %sign3A_1148 : i32
        %sign3A_1150 = arith.extui %sign3A_1149 : i1 to i32
        %sign3A_1151 = arith.subi %sign3A_1147, %sign3A_1150 : i32
        %sign3A_1152 = arith.constant 0 : i32
        %sign3A_1153 = arith.cmpi sgt, %jit3A_1143, %sign3A_1152 : i32
        %sign3A_1154 = arith.extui %sign3A_1153 : i1 to i32
        %sign3A_1155 = arith.constant 0 : i32
        %sign3A_1156 = arith.cmpi slt, %jit3A_1143, %sign3A_1155 : i32
        %sign3A_1157 = arith.extui %sign3A_1156 : i1 to i32
        %sign3A_1158 = arith.subi %sign3A_1154, %sign3A_1157 : i32
        %ne3A_1159 = arith.cmpi ne, %sign3A_1151, %sign3A_1158 : i32
        %rem3A_1160 = arith.remsi %scan3A_1142, %jit3A_1143 : i32
        %ne3A_1161 = arith.constant 0 : i32
        %ne3A_1162 = arith.cmpi ne, %rem3A_1160, %ne3A_1161 : i32
        %and3A_1163 = arith.andi %ne3A_1159, %ne3A_1162 : i1
        %sub3A_1164 = arith.constant 1 : i32
        %sub3A_1165 = arith.subi %div3A_1144, %sub3A_1164 : i32
        %select_n3A_1166 = arith.select %and3A_1163, %sub3A_1165, %div3A_1144 : i32
        %jit3A_1167 = arith.constant 32 : i32
        %eq3A_1168 = arith.constant 0 : i32
        %eq3A_1169 = arith.cmpi eq, %jit3A_1167, %eq3A_1168 : i32
        %jit3A_1170 = arith.constant 1 : i32
        %select_n3A_1171 = arith.select %eq3A_1169, %jit3A_1170, %jit3A_1167 : i32
        %rem3A_1172 = arith.remsi %scan3A_1142, %select_n3A_1171 : i32
        %ne3A_1173 = arith.constant 0 : i32
        %ne3A_1174 = arith.cmpi ne, %rem3A_1172, %ne3A_1173 : i32
        %lt3A_1175 = arith.constant 0 : i32
        %lt3A_1176 = arith.cmpi slt, %rem3A_1172, %lt3A_1175 : i32
        %lt3A_1177 = arith.constant 0 : i32
        %lt3A_1178 = arith.cmpi slt, %select_n3A_1171, %lt3A_1177 : i32
        %ne3A_1179 = arith.xori %lt3A_1176, %lt3A_1178 : i1
        %and3A_1180 = arith.andi %ne3A_1179, %ne3A_1174 : i1
        %add3A_1181 = arith.addi %rem3A_1172, %select_n3A_1171 : i32
        %select_n3A_1182 = arith.select %and3A_1180, %add3A_1181, %rem3A_1172 : i32
        %mul3A_1183 = arith.constant 16 : i32
        %mul3A_1184 = arith.muli %select_n3A_1182, %mul3A_1183 : i32
        %add3A_1185 = vector.broadcast %mul3A_1184 : i32 to vector<16xi32>
        %add3A_1186 = arith.addi %iota3A, %add3A_1185 : vector<16xi32>
        %add3A_1187 = vector.broadcast %mul3A_920 : i32 to vector<16xi32>
        %add3A_1188 = arith.addi %add3A_1186, %add3A_1187 : vector<16xi32>
        %mul3A_1189 = arith.constant 16382 : i32
        %mul3A_1190 = vector.broadcast %mul3A_1189 : i32 to vector<16xi32>
        %mul3A_1191 = arith.muli %mul3A_1190, %add3A_1188 : vector<16xi32>
        %add3A_1192 = arith.constant 1023 : i32
        %add3A_1193 = vector.broadcast %add3A_1192 : i32 to vector<16xi32>
        %add3A_1194 = arith.addi %mul3A_1191, %add3A_1193 : vector<16xi32>
        %jit3A_1195 = arith.constant 2046 : i32
        %div3A_1196 = vector.broadcast %jit3A_1195 : i32 to vector<16xi32>
        %div3A_1197 = arith.divsi %add3A_1194, %div3A_1196 : vector<16xi32>
        %sign3A_1198 = arith.constant 0 : i32
        %sign3A_1199 = vector.broadcast %sign3A_1198 : i32 to vector<16xi32>
        %sign3A_1200 = arith.cmpi sgt, %add3A_1194, %sign3A_1199 : vector<16xi32>
        %sign3A_1201 = arith.extui %sign3A_1200 : vector<16xi1> to vector<16xi32>
        %sign3A_1202 = arith.constant 0 : i32
        %sign3A_1203 = vector.broadcast %sign3A_1202 : i32 to vector<16xi32>
        %sign3A_1204 = arith.cmpi slt, %add3A_1194, %sign3A_1203 : vector<16xi32>
        %sign3A_1205 = arith.extui %sign3A_1204 : vector<16xi1> to vector<16xi32>
        %sign3A_1206 = arith.subi %sign3A_1201, %sign3A_1205 : vector<16xi32>
        %sign3A_1207 = arith.constant 0 : i32
        %sign3A_1208 = arith.cmpi sgt, %jit3A_1195, %sign3A_1207 : i32
        %sign3A_1209 = arith.extui %sign3A_1208 : i1 to i32
        %sign3A_1210 = arith.constant 0 : i32
        %sign3A_1211 = arith.cmpi slt, %jit3A_1195, %sign3A_1210 : i32
        %sign3A_1212 = arith.extui %sign3A_1211 : i1 to i32
        %sign3A_1213 = arith.subi %sign3A_1209, %sign3A_1212 : i32
        %ne3A_1214 = vector.broadcast %sign3A_1213 : i32 to vector<16xi32>
        %ne3A_1215 = arith.cmpi ne, %sign3A_1206, %ne3A_1214 : vector<16xi32>
        %rem3A_1216 = vector.broadcast %jit3A_1195 : i32 to vector<16xi32>
        %rem3A_1217 = arith.remsi %add3A_1194, %rem3A_1216 : vector<16xi32>
        %ne3A_1218 = arith.constant 0 : i32
        %ne3A_1219 = vector.broadcast %ne3A_1218 : i32 to vector<16xi32>
        %ne3A_1220 = arith.cmpi ne, %rem3A_1217, %ne3A_1219 : vector<16xi32>
        %and3A_1221 = arith.andi %ne3A_1215, %ne3A_1220 : vector<16xi1>
        %sub3A_1222 = arith.constant 1 : i32
        %sub3A_1223 = vector.broadcast %sub3A_1222 : i32 to vector<16xi32>
        %sub3A_1224 = arith.subi %div3A_1197, %sub3A_1223 : vector<16xi32>
        %select_n3A_1225 = arith.select %and3A_1221, %sub3A_1224, %div3A_1197 : vector<16xi1>, vector<16xi32>
        %sub3A_1226 = vector.broadcast %mul3A_922 : i32 to vector<16xi32>
        %sub3A_1227 = arith.subi %select_n3A_1225, %sub3A_1226 : vector<16xi32>
        %broadcast_in_dim3A_1228 = arith.constant 0 : i32
        %broadcast_in_dim3A_1229 = vector.broadcast %broadcast_in_dim3A_1228 : i32 to vector<16xi32>
        %add3A_1230 = vector.broadcast %select_n3A_1166 : i32 to vector<16xi32>
        %add3A_1231 = arith.addi %broadcast_in_dim3A_1229, %add3A_1230 : vector<16xi32>
        %gather3A_1232 = arith.constant 1 : i32
        %gather3A_1233 = arith.constant 0 : i32
        %gather3A_1234 = arith.constant 0 : i32
        %gather3A_1235 = tpu.memref_slice %arg4[%gather3A_1232, %gather3A_1233, %gather3A_1234] : memref<2x8x4096xf32, #tpu.memory_space<vmem>> -> memref<1x8x4096xf32, #tpu.memory_space<vmem>>
        %gather3A_1236 = tpu.memref_squeeze %gather3A_1235 : memref<1x8x4096xf32, #tpu.memory_space<vmem>> -> memref<8x4096xf32, #tpu.memory_space<vmem>>
        %gather3A_1237 = tpu.vector_load_idx %gather3A_1236[%add3A_1231, %sub3A_1227] : memref<8x4096xf32, #tpu.memory_space<vmem>>[vector<16xi32>, vector<16xi32>], vector<16xf32>,
        %mul3A_1238 = arith.constant 16 : i32
        %mul3A_1239 = arith.muli %select_n3A_1182, %mul3A_1238 : i32
        %swap3A_1240 = arith.constant 1 : i32
        %swap3A_1241 = arith.index_cast %swap3A_1240 : i32 to index
        %swap3A_1242 = arith.index_cast %select_n3A_1166 : i32 to index
        %swap3A_1243 = arith.index_cast %mul3A_1239 : i32 to index
        %swap3A_1244 = tpu.vector_load %arg5[%swap3A_1241, %swap3A_1242, %swap3A_1243] {strides = array<i32>} : memref<2x8x512xf32, #tpu.memory_space<vmem>>, vector<16xf32>,
        tpu.vector_store %arg5[%swap3A_1241, %swap3A_1242, %swap3A_1243], %gather3A_1237 {strides = array<i32>} : memref<2x8x512xf32, #tpu.memory_space<vmem>>, vector<16xf32>,
        %scan3A_1245 = arith.constant 0 : i32
        %scan3A_1246 = arith.constant 2 : i32
        %scan3A_1247 = arith.addi %scan3A_1039, %scan3A_1246 : i32
        %jit3A_1248 = arith.constant 32 : i32
        %div3A_1249 = arith.divsi %scan3A_1247, %jit3A_1248 : i32
        %sign3A_1250 = arith.constant 0 : i32
        %sign3A_1251 = arith.cmpi sgt, %scan3A_1247, %sign3A_1250 : i32
        %sign3A_1252 = arith.extui %sign3A_1251 : i1 to i32
        %sign3A_1253 = arith.constant 0 : i32
        %sign3A_1254 = arith.cmpi slt, %scan3A_1247, %sign3A_1253 : i32
        %sign3A_1255 = arith.extui %sign3A_1254 : i1 to i32
        %sign3A_1256 = arith.subi %sign3A_1252, %sign3A_1255 : i32
        %sign3A_1257 = arith.constant 0 : i32
        %sign3A_1258 = arith.cmpi sgt, %jit3A_1248, %sign3A_1257 : i32
        %sign3A_1259 = arith.extui %sign3A_1258 : i1 to i32
        %sign3A_1260 = arith.constant 0 : i32
        %sign3A_1261 = arith.cmpi slt, %jit3A_1248, %sign3A_1260 : i32
        %sign3A_1262 = arith.extui %sign3A_1261 : i1 to i32
        %sign3A_1263 = arith.subi %sign3A_1259, %sign3A_1262 : i32
        %ne3A_1264 = arith.cmpi ne, %sign3A_1256, %sign3A_1263 : i32
        %rem3A_1265 = arith.remsi %scan3A_1247, %jit3A_1248 : i32
        %ne3A_1266 = arith.constant 0 : i32
        %ne3A_1267 = arith.cmpi ne, %rem3A_1265, %ne3A_1266 : i32
        %and3A_1268 = arith.andi %ne3A_1264, %ne3A_1267 : i1
        %sub3A_1269 = arith.constant 1 : i32
        %sub3A_1270 = arith.subi %div3A_1249, %sub3A_1269 : i32
        %select_n3A_1271 = arith.select %and3A_1268, %sub3A_1270, %div3A_1249 : i32
        %jit3A_1272 = arith.constant 32 : i32
        %eq3A_1273 = arith.constant 0 : i32
        %eq3A_1274 = arith.cmpi eq, %jit3A_1272, %eq3A_1273 : i32
        %jit3A_1275 = arith.constant 1 : i32
        %select_n3A_1276 = arith.select %eq3A_1274, %jit3A_1275, %jit3A_1272 : i32
        %rem3A_1277 = arith.remsi %scan3A_1247, %select_n3A_1276 : i32
        %ne3A_1278 = arith.constant 0 : i32
        %ne3A_1279 = arith.cmpi ne, %rem3A_1277, %ne3A_1278 : i32
        %lt3A_1280 = arith.constant 0 : i32
        %lt3A_1281 = arith.cmpi slt, %rem3A_1277, %lt3A_1280 : i32
        %lt3A_1282 = arith.constant 0 : i32
        %lt3A_1283 = arith.cmpi slt, %select_n3A_1276, %lt3A_1282 : i32
        %ne3A_1284 = arith.xori %lt3A_1281, %lt3A_1283 : i1
        %and3A_1285 = arith.andi %ne3A_1284, %ne3A_1279 : i1
        %add3A_1286 = arith.addi %rem3A_1277, %select_n3A_1276 : i32
        %select_n3A_1287 = arith.select %and3A_1285, %add3A_1286, %rem3A_1277 : i32
        %mul3A_1288 = arith.constant 16 : i32
        %mul3A_1289 = arith.muli %select_n3A_1287, %mul3A_1288 : i32
        %add3A_1290 = vector.broadcast %mul3A_1289 : i32 to vector<16xi32>
        %add3A_1291 = arith.addi %iota3A, %add3A_1290 : vector<16xi32>
        %add3A_1292 = vector.broadcast %mul3A_920 : i32 to vector<16xi32>
        %add3A_1293 = arith.addi %add3A_1291, %add3A_1292 : vector<16xi32>
        %mul3A_1294 = arith.constant 16382 : i32
        %mul3A_1295 = vector.broadcast %mul3A_1294 : i32 to vector<16xi32>
        %mul3A_1296 = arith.muli %mul3A_1295, %add3A_1293 : vector<16xi32>
        %add3A_1297 = arith.constant 1023 : i32
        %add3A_1298 = vector.broadcast %add3A_1297 : i32 to vector<16xi32>
        %add3A_1299 = arith.addi %mul3A_1296, %add3A_1298 : vector<16xi32>
        %jit3A_1300 = arith.constant 2046 : i32
        %div3A_1301 = vector.broadcast %jit3A_1300 : i32 to vector<16xi32>
        %div3A_1302 = arith.divsi %add3A_1299, %div3A_1301 : vector<16xi32>
        %sign3A_1303 = arith.constant 0 : i32
        %sign3A_1304 = vector.broadcast %sign3A_1303 : i32 to vector<16xi32>
        %sign3A_1305 = arith.cmpi sgt, %add3A_1299, %sign3A_1304 : vector<16xi32>
        %sign3A_1306 = arith.extui %sign3A_1305 : vector<16xi1> to vector<16xi32>
        %sign3A_1307 = arith.constant 0 : i32
        %sign3A_1308 = vector.broadcast %sign3A_1307 : i32 to vector<16xi32>
        %sign3A_1309 = arith.cmpi slt, %add3A_1299, %sign3A_1308 : vector<16xi32>
        %sign3A_1310 = arith.extui %sign3A_1309 : vector<16xi1> to vector<16xi32>
        %sign3A_1311 = arith.subi %sign3A_1306, %sign3A_1310 : vector<16xi32>
        %sign3A_1312 = arith.constant 0 : i32
        %sign3A_1313 = arith.cmpi sgt, %jit3A_1300, %sign3A_1312 : i32
        %sign3A_1314 = arith.extui %sign3A_1313 : i1 to i32
        %sign3A_1315 = arith.constant 0 : i32
        %sign3A_1316 = arith.cmpi slt, %jit3A_1300, %sign3A_1315 : i32
        %sign3A_1317 = arith.extui %sign3A_1316 : i1 to i32
        %sign3A_1318 = arith.subi %sign3A_1314, %sign3A_1317 : i32
        %ne3A_1319 = vector.broadcast %sign3A_1318 : i32 to vector<16xi32>
        %ne3A_1320 = arith.cmpi ne, %sign3A_1311, %ne3A_1319 : vector<16xi32>
        %rem3A_1321 = vector.broadcast %jit3A_1300 : i32 to vector<16xi32>
        %rem3A_1322 = arith.remsi %add3A_1299, %rem3A_1321 : vector<16xi32>
        %ne3A_1323 = arith.constant 0 : i32
        %ne3A_1324 = vector.broadcast %ne3A_1323 : i32 to vector<16xi32>
        %ne3A_1325 = arith.cmpi ne, %rem3A_1322, %ne3A_1324 : vector<16xi32>
        %and3A_1326 = arith.andi %ne3A_1320, %ne3A_1325 : vector<16xi1>
        %sub3A_1327 = arith.constant 1 : i32
        %sub3A_1328 = vector.broadcast %sub3A_1327 : i32 to vector<16xi32>
        %sub3A_1329 = arith.subi %div3A_1302, %sub3A_1328 : vector<16xi32>
        %select_n3A_1330 = arith.select %and3A_1326, %sub3A_1329, %div3A_1302 : vector<16xi1>, vector<16xi32>
        %sub3A_1331 = vector.broadcast %mul3A_922 : i32 to vector<16xi32>
        %sub3A_1332 = arith.subi %select_n3A_1330, %sub3A_1331 : vector<16xi32>
        %broadcast_in_dim3A_1333 = arith.constant 0 : i32
        %broadcast_in_dim3A_1334 = vector.broadcast %broadcast_in_dim3A_1333 : i32 to vector<16xi32>
        %add3A_1335 = vector.broadcast %select_n3A_1271 : i32 to vector<16xi32>
        %add3A_1336 = arith.addi %broadcast_in_dim3A_1334, %add3A_1335 : vector<16xi32>
        %gather3A_1337 = arith.constant 1 : i32
        %gather3A_1338 = arith.constant 0 : i32
        %gather3A_1339 = arith.constant 0 : i32
        %gather3A_1340 = tpu.memref_slice %arg4[%gather3A_1337, %gather3A_1338, %gather3A_1339] : memref<2x8x4096xf32, #tpu.memory_space<vmem>> -> memref<1x8x4096xf32, #tpu.memory_space<vmem>>
        %gather3A_1341 = tpu.memref_squeeze %gather3A_1340 : memref<1x8x4096xf32, #tpu.memory_space<vmem>> -> memref<8x4096xf32, #tpu.memory_space<vmem>>
        %gather3A_1342 = tpu.vector_load_idx %gather3A_1341[%add3A_1336, %sub3A_1332] : memref<8x4096xf32, #tpu.memory_space<vmem>>[vector<16xi32>, vector<16xi32>], vector<16xf32>,
        %mul3A_1343 = arith.constant 16 : i32
        %mul3A_1344 = arith.muli %select_n3A_1287, %mul3A_1343 : i32
        %swap3A_1345 = arith.constant 1 : i32
        %swap3A_1346 = arith.index_cast %swap3A_1345 : i32 to index
        %swap3A_1347 = arith.index_cast %select_n3A_1271 : i32 to index
        %swap3A_1348 = arith.index_cast %mul3A_1344 : i32 to index
        %swap3A_1349 = tpu.vector_load %arg5[%swap3A_1346, %swap3A_1347, %swap3A_1348] {strides = array<i32>} : memref<2x8x512xf32, #tpu.memory_space<vmem>>, vector<16xf32>,
        tpu.vector_store %arg5[%swap3A_1346, %swap3A_1347, %swap3A_1348], %gather3A_1342 {strides = array<i32>} : memref<2x8x512xf32, #tpu.memory_space<vmem>>, vector<16xf32>,
        %scan3A_1350 = arith.constant 0 : i32
        %scan3A_1351 = arith.constant 3 : i32
        %scan3A_1352 = arith.addi %scan3A_1039, %scan3A_1351 : i32
        %jit3A_1353 = arith.constant 32 : i32
        %div3A_1354 = arith.divsi %scan3A_1352, %jit3A_1353 : i32
        %sign3A_1355 = arith.constant 0 : i32
        %sign3A_1356 = arith.cmpi sgt, %scan3A_1352, %sign3A_1355 : i32
        %sign3A_1357 = arith.extui %sign3A_1356 : i1 to i32
        %sign3A_1358 = arith.constant 0 : i32
        %sign3A_1359 = arith.cmpi slt, %scan3A_1352, %sign3A_1358 : i32
        %sign3A_1360 = arith.extui %sign3A_1359 : i1 to i32
        %sign3A_1361 = arith.subi %sign3A_1357, %sign3A_1360 : i32
        %sign3A_1362 = arith.constant 0 : i32
        %sign3A_1363 = arith.cmpi sgt, %jit3A_1353, %sign3A_1362 : i32
        %sign3A_1364 = arith.extui %sign3A_1363 : i1 to i32
        %sign3A_1365 = arith.constant 0 : i32
        %sign3A_1366 = arith.cmpi slt, %jit3A_1353, %sign3A_1365 : i32
        %sign3A_1367 = arith.extui %sign3A_1366 : i1 to i32
        %sign3A_1368 = arith.subi %sign3A_1364, %sign3A_1367 : i32
        %ne3A_1369 = arith.cmpi ne, %sign3A_1361, %sign3A_1368 : i32
        %rem3A_1370 = arith.remsi %scan3A_1352, %jit3A_1353 : i32
        %ne3A_1371 = arith.constant 0 : i32
        %ne3A_1372 = arith.cmpi ne, %rem3A_1370, %ne3A_1371 : i32
        %and3A_1373 = arith.andi %ne3A_1369, %ne3A_1372 : i1
        %sub3A_1374 = arith.constant 1 : i32
        %sub3A_1375 = arith.subi %div3A_1354, %sub3A_1374 : i32
        %select_n3A_1376 = arith.select %and3A_1373, %sub3A_1375, %div3A_1354 : i32
        %jit3A_1377 = arith.constant 32 : i32
        %eq3A_1378 = arith.constant 0 : i32
        %eq3A_1379 = arith.cmpi eq, %jit3A_1377, %eq3A_1378 : i32
        %jit3A_1380 = arith.constant 1 : i32
        %select_n3A_1381 = arith.select %eq3A_1379, %jit3A_1380, %jit3A_1377 : i32
        %rem3A_1382 = arith.remsi %scan3A_1352, %select_n3A_1381 : i32
        %ne3A_1383 = arith.constant 0 : i32
        %ne3A_1384 = arith.cmpi ne, %rem3A_1382, %ne3A_1383 : i32
        %lt3A_1385 = arith.constant 0 : i32
        %lt3A_1386 = arith.cmpi slt, %rem3A_1382, %lt3A_1385 : i32
        %lt3A_1387 = arith.constant 0 : i32
        %lt3A_1388 = arith.cmpi slt, %select_n3A_1381, %lt3A_1387 : i32
        %ne3A_1389 = arith.xori %lt3A_1386, %lt3A_1388 : i1
        %and3A_1390 = arith.andi %ne3A_1389, %ne3A_1384 : i1
        %add3A_1391 = arith.addi %rem3A_1382, %select_n3A_1381 : i32
        %select_n3A_1392 = arith.select %and3A_1390, %add3A_1391, %rem3A_1382 : i32
        %mul3A_1393 = arith.constant 16 : i32
        %mul3A_1394 = arith.muli %select_n3A_1392, %mul3A_1393 : i32
        %add3A_1395 = vector.broadcast %mul3A_1394 : i32 to vector<16xi32>
        %add3A_1396 = arith.addi %iota3A, %add3A_1395 : vector<16xi32>
        %add3A_1397 = vector.broadcast %mul3A_920 : i32 to vector<16xi32>
        %add3A_1398 = arith.addi %add3A_1396, %add3A_1397 : vector<16xi32>
        %mul3A_1399 = arith.constant 16382 : i32
        %mul3A_1400 = vector.broadcast %mul3A_1399 : i32 to vector<16xi32>
        %mul3A_1401 = arith.muli %mul3A_1400, %add3A_1398 : vector<16xi32>
        %add3A_1402 = arith.constant 1023 : i32
        %add3A_1403 = vector.broadcast %add3A_1402 : i32 to vector<16xi32>
        %add3A_1404 = arith.addi %mul3A_1401, %add3A_1403 : vector<16xi32>
        %jit3A_1405 = arith.constant 2046 : i32
        %div3A_1406 = vector.broadcast %jit3A_1405 : i32 to vector<16xi32>
        %div3A_1407 = arith.divsi %add3A_1404, %div3A_1406 : vector<16xi32>
        %sign3A_1408 = arith.constant 0 : i32
        %sign3A_1409 = vector.broadcast %sign3A_1408 : i32 to vector<16xi32>
        %sign3A_1410 = arith.cmpi sgt, %add3A_1404, %sign3A_1409 : vector<16xi32>
        %sign3A_1411 = arith.extui %sign3A_1410 : vector<16xi1> to vector<16xi32>
        %sign3A_1412 = arith.constant 0 : i32
        %sign3A_1413 = vector.broadcast %sign3A_1412 : i32 to vector<16xi32>
        %sign3A_1414 = arith.cmpi slt, %add3A_1404, %sign3A_1413 : vector<16xi32>
        %sign3A_1415 = arith.extui %sign3A_1414 : vector<16xi1> to vector<16xi32>
        %sign3A_1416 = arith.subi %sign3A_1411, %sign3A_1415 : vector<16xi32>
        %sign3A_1417 = arith.constant 0 : i32
        %sign3A_1418 = arith.cmpi sgt, %jit3A_1405, %sign3A_1417 : i32
        %sign3A_1419 = arith.extui %sign3A_1418 : i1 to i32
        %sign3A_1420 = arith.constant 0 : i32
        %sign3A_1421 = arith.cmpi slt, %jit3A_1405, %sign3A_1420 : i32
        %sign3A_1422 = arith.extui %sign3A_1421 : i1 to i32
        %sign3A_1423 = arith.subi %sign3A_1419, %sign3A_1422 : i32
        %ne3A_1424 = vector.broadcast %sign3A_1423 : i32 to vector<16xi32>
        %ne3A_1425 = arith.cmpi ne, %sign3A_1416, %ne3A_1424 : vector<16xi32>
        %rem3A_1426 = vector.broadcast %jit3A_1405 : i32 to vector<16xi32>
        %rem3A_1427 = arith.remsi %add3A_1404, %rem3A_1426 : vector<16xi32>
        %ne3A_1428 = arith.constant 0 : i32
        %ne3A_1429 = vector.broadcast %ne3A_1428 : i32 to vector<16xi32>
        %ne3A_1430 = arith.cmpi ne, %rem3A_1427, %ne3A_1429 : vector<16xi32>
        %and3A_1431 = arith.andi %ne3A_1425, %ne3A_1430 : vector<16xi1>
        %sub3A_1432 = arith.constant 1 : i32
        %sub3A_1433 = vector.broadcast %sub3A_1432 : i32 to vector<16xi32>
        %sub3A_1434 = arith.subi %div3A_1407, %sub3A_1433 : vector<16xi32>
        %select_n3A_1435 = arith.select %and3A_1431, %sub3A_1434, %div3A_1407 : vector<16xi1>, vector<16xi32>
        %sub3A_1436 = vector.broadcast %mul3A_922 : i32 to vector<16xi32>
        %sub3A_1437 = arith.subi %select_n3A_1435, %sub3A_1436 : vector<16xi32>
        %broadcast_in_dim3A_1438 = arith.constant 0 : i32
        %broadcast_in_dim3A_1439 = vector.broadcast %broadcast_in_dim3A_1438 : i32 to vector<16xi32>
        %add3A_1440 = vector.broadcast %select_n3A_1376 : i32 to vector<16xi32>
        %add3A_1441 = arith.addi %broadcast_in_dim3A_1439, %add3A_1440 : vector<16xi32>
        %gather3A_1442 = arith.constant 1 : i32
        %gather3A_1443 = arith.constant 0 : i32
        %gather3A_1444 = arith.constant 0 : i32
        %gather3A_1445 = tpu.memref_slice %arg4[%gather3A_1442, %gather3A_1443, %gather3A_1444] : memref<2x8x4096xf32, #tpu.memory_space<vmem>> -> memref<1x8x4096xf32, #tpu.memory_space<vmem>>
        %gather3A_1446 = tpu.memref_squeeze %gather3A_1445 : memref<1x8x4096xf32, #tpu.memory_space<vmem>> -> memref<8x4096xf32, #tpu.memory_space<vmem>>
        %gather3A_1447 = tpu.vector_load_idx %gather3A_1446[%add3A_1441, %sub3A_1437] : memref<8x4096xf32, #tpu.memory_space<vmem>>[vector<16xi32>, vector<16xi32>], vector<16xf32>,
        %mul3A_1448 = arith.constant 16 : i32
        %mul3A_1449 = arith.muli %select_n3A_1392, %mul3A_1448 : i32
        %swap3A_1450 = arith.constant 1 : i32
        %swap3A_1451 = arith.index_cast %swap3A_1450 : i32 to index
        %swap3A_1452 = arith.index_cast %select_n3A_1376 : i32 to index
        %swap3A_1453 = arith.index_cast %mul3A_1449 : i32 to index
        %swap3A_1454 = tpu.vector_load %arg5[%swap3A_1451, %swap3A_1452, %swap3A_1453] {strides = array<i32>} : memref<2x8x512xf32, #tpu.memory_space<vmem>>, vector<16xf32>,
        tpu.vector_store %arg5[%swap3A_1451, %swap3A_1452, %swap3A_1453], %gather3A_1447 {strides = array<i32>} : memref<2x8x512xf32, #tpu.memory_space<vmem>>, vector<16xf32>,
        %scan3A_1455 = arith.constant 0 : i32
        scf.yield %scan3A_1455 : i32
      }
      %scan3A_929 = arith.constant 256 : i32
      %mul3A_930 = arith.constant 32 : i32
      %mul3A_931 = arith.muli %mul3A_930, %add3A_722 : i32
      %add3A_932 = arith.addi %add3A, %mul3A_931 : i32
      %min3A_933 = arith.constant 407 : i32
      %min3A_934 = arith.minsi %add3A_932, %min3A_933 : i32
      %jit3A_935 = arith.constant 136 : i32
      %div3A_936 = arith.divsi %min3A_934, %jit3A_935 : i32
      %sign3A_937 = arith.constant 0 : i32
      %sign3A_938 = arith.cmpi sgt, %min3A_934, %sign3A_937 : i32
      %sign3A_939 = arith.extui %sign3A_938 : i1 to i32
      %sign3A_940 = arith.constant 0 : i32
      %sign3A_941 = arith.cmpi slt, %min3A_934, %sign3A_940 : i32
      %sign3A_942 = arith.extui %sign3A_941 : i1 to i32
      %sign3A_943 = arith.subi %sign3A_939, %sign3A_942 : i32
      %sign3A_944 = arith.constant 0 : i32
      %sign3A_945 = arith.cmpi sgt, %jit3A_935, %sign3A_944 : i32
      %sign3A_946 = arith.extui %sign3A_945 : i1 to i32
      %sign3A_947 = arith.constant 0 : i32
      %sign3A_948 = arith.cmpi slt, %jit3A_935, %sign3A_947 : i32
      %sign3A_949 = arith.extui %sign3A_948 : i1 to i32
      %sign3A_950 = arith.subi %sign3A_946, %sign3A_949 : i32
      %ne3A_951 = arith.cmpi ne, %sign3A_943, %sign3A_950 : i32
      %rem3A_952 = arith.remsi %min3A_934, %jit3A_935 : i32
      %ne3A_953 = arith.constant 0 : i32
      %ne3A_954 = arith.cmpi ne, %rem3A_952, %ne3A_953 : i32
      %and3A_955 = arith.andi %ne3A_951, %ne3A_954 : i1
      %sub3A_956 = arith.constant 1 : i32
      %sub3A_957 = arith.subi %div3A_936, %sub3A_956 : i32
      %select_n3A_958 = arith.select %and3A_955, %sub3A_957, %div3A_936 : i32
      %jit3A_959 = arith.constant 136 : i32
      %eq3A_960 = arith.constant 0 : i32
      %eq3A_961 = arith.cmpi eq, %jit3A_959, %eq3A_960 : i32
      %jit3A_962 = arith.constant 1 : i32
      %select_n3A_963 = arith.select %eq3A_961, %jit3A_962, %jit3A_959 : i32
      %rem3A_964 = arith.remsi %min3A_934, %select_n3A_963 : i32
      %ne3A_965 = arith.constant 0 : i32
      %ne3A_966 = arith.cmpi ne, %rem3A_964, %ne3A_965 : i32
      %lt3A_967 = arith.constant 0 : i32
      %lt3A_968 = arith.cmpi slt, %rem3A_964, %lt3A_967 : i32
      %lt3A_969 = arith.constant 0 : i32
      %lt3A_970 = arith.cmpi slt, %select_n3A_963, %lt3A_969 : i32
      %ne3A_971 = arith.xori %lt3A_968, %lt3A_970 : i1
      %and3A_972 = arith.andi %ne3A_971, %ne3A_966 : i1
      %add3A_973 = arith.addi %rem3A_964, %select_n3A_963 : i32
      %select_n3A_974 = arith.select %and3A_972, %add3A_973, %rem3A_964 : i32
      %jit3A_975 = arith.constant 2 : i32
      %div3A_976 = arith.divsi %select_n3A_974, %jit3A_975 : i32
      %sign3A_977 = arith.constant 0 : i32
      %sign3A_978 = arith.cmpi sgt, %select_n3A_974, %sign3A_977 : i32
      %sign3A_979 = arith.extui %sign3A_978 : i1 to i32
      %sign3A_980 = arith.constant 0 : i32
      %sign3A_981 = arith.cmpi slt, %select_n3A_974, %sign3A_980 : i32
      %sign3A_982 = arith.extui %sign3A_981 : i1 to i32
      %sign3A_983 = arith.subi %sign3A_979, %sign3A_982 : i32
      %sign3A_984 = arith.constant 0 : i32
      %sign3A_985 = arith.cmpi sgt, %jit3A_975, %sign3A_984 : i32
      %sign3A_986 = arith.extui %sign3A_985 : i1 to i32
      %sign3A_987 = arith.constant 0 : i32
      %sign3A_988 = arith.cmpi slt, %jit3A_975, %sign3A_987 : i32
      %sign3A_989 = arith.extui %sign3A_988 : i1 to i32
      %sign3A_990 = arith.subi %sign3A_986, %sign3A_989 : i32
      %ne3A_991 = arith.cmpi ne, %sign3A_983, %sign3A_990 : i32
      %rem3A_992 = arith.remsi %select_n3A_974, %jit3A_975 : i32
      %ne3A_993 = arith.constant 0 : i32
      %ne3A_994 = arith.cmpi ne, %rem3A_992, %ne3A_993 : i32
      %and3A_995 = arith.andi %ne3A_991, %ne3A_994 : i1
      %sub3A_996 = arith.constant 1 : i32
      %sub3A_997 = arith.subi %div3A_976, %sub3A_996 : i32
      %select_n3A_998 = arith.select %and3A_995, %sub3A_997, %div3A_976 : i32
      %jit3A_999 = arith.constant 2 : i32
      %eq3A_1000 = arith.constant 0 : i32
      %eq3A_1001 = arith.cmpi eq, %jit3A_999, %eq3A_1000 : i32
      %jit3A_1002 = arith.constant 1 : i32
      %select_n3A_1003 = arith.select %eq3A_1001, %jit3A_1002, %jit3A_999 : i32
      %rem3A_1004 = arith.remsi %select_n3A_974, %select_n3A_1003 : i32
      %ne3A_1005 = arith.constant 0 : i32
      %ne3A_1006 = arith.cmpi ne, %rem3A_1004, %ne3A_1005 : i32
      %lt3A_1007 = arith.constant 0 : i32
      %lt3A_1008 = arith.cmpi slt, %rem3A_1004, %lt3A_1007 : i32
      %lt3A_1009 = arith.constant 0 : i32
      %lt3A_1010 = arith.cmpi slt, %select_n3A_1003, %lt3A_1009 : i32
      %ne3A_1011 = arith.xori %lt3A_1008, %lt3A_1010 : i1
      %and3A_1012 = arith.andi %ne3A_1011, %ne3A_1006 : i1
      %add3A_1013 = arith.addi %rem3A_1004, %select_n3A_1003 : i32
      %select_n3A_1014 = arith.select %and3A_1012, %add3A_1013, %rem3A_1004 : i32
      %mul3A_1015 = arith.constant 8 : i32
      %mul3A_1016 = arith.muli %select_n3A_998, %mul3A_1015 : i32
      %multiple_of3A_1017 = tpu.assume_multiple %mul3A_1016, 8 : i32
      %mul3A_1018 = arith.constant 512 : i32
      %mul3A_1019 = arith.muli %select_n3A_1014, %mul3A_1018 : i32
      %dma_start3A_1020 = arith.constant 1 : i32
      %dma_start3A_1021 = arith.constant 0 : i32
      %dma_start3A_1022 = arith.constant 0 : i32
      %dma_start3A_1023 = tpu.memref_slice %arg5[%dma_start3A_1020, %dma_start3A_1021, %dma_start3A_1022] : memref<2x8x512xf32, #tpu.memory_space<vmem>> -> memref<1x8x512xf32, #tpu.memory_space<vmem>>
      %dma_start3A_1024 = tpu.memref_squeeze %dma_start3A_1023 : memref<1x8x512xf32, #tpu.memory_space<vmem>> -> memref<8x512xf32, #tpu.memory_space<vmem>>
      %dma_start3A_1025 = tpu.memref_slice %arg3[%select_n3A_958, %multiple_of3A_1017, %mul3A_1019] : memref<3x543x1024xf32, #tpu.memory_space<hbm>> -> memref<1x8x512xf32, #tpu.memory_space<hbm>>
      %dma_start3A_1026 = tpu.memref_squeeze %dma_start3A_1025 : memref<1x8x512xf32, #tpu.memory_space<hbm>> -> memref<8x512xf32, #tpu.memory_space<hbm>>
      %dma_start3A_1027 = tpu.memref_slice %arg3[%select_n3A_958, %multiple_of3A_1017, %mul3A_1019] : memref<3x543x1024xf32, #tpu.memory_space<hbm>> -> memref<1x8x512xf32, #tpu.memory_space<hbm>>
      %dma_start3A_1028 = tpu.memref_squeeze %dma_start3A_1027 : memref<1x8x512xf32, #tpu.memory_space<hbm>> -> memref<8x512xf32, #tpu.memory_space<hbm>>
      %dma_start3A_1029 = arith.constant 0 : i32
      %dma_start3A_1030 = arith.constant 0 : i32
      %dma_start3A_1031 = tpu.memref_slice %arg5[%dma_start3A_1020, %dma_start3A_1029, %dma_start3A_1030] : memref<2x8x512xf32, #tpu.memory_space<vmem>> -> memref<1x8x512xf32, #tpu.memory_space<vmem>>
      %dma_start3A_1032 = tpu.memref_squeeze %dma_start3A_1031 : memref<1x8x512xf32, #tpu.memory_space<vmem>> -> memref<8x512xf32, #tpu.memory_space<vmem>>
      tpu.enqueue_dma source(%dma_start3A_1032 : memref<8x512xf32, #tpu.memory_space<vmem>>) target(%dma_start3A_1028 : memref<8x512xf32, #tpu.memory_space<hbm>>) target_semaphore(%arg7 : memref<!tpu.dma_semaphore, #tpu.memory_space<semaphore_mem>>)
      %lt3A_1033 = arith.constant 6 : i32
      %lt3A_1034 = arith.cmpi slt, %scan3A_401, %lt3A_1033 : i32
      %convert_element_type3A_1035 = arith.extui %lt3A_1034 : i1 to i32
      %cond3A_1036 = arith.constant 0 : i32
      %cond3A_1037 = arith.cmpi ne, %convert_element_type3A_1035, %cond3A_1036 : i32
      scf.if %cond3A_1037 {
        %add3A_1039 = arith.constant 2 : i32
        %add3A_1040 = arith.addi %add3A_722, %add3A_1039 : i32
        %mul3A_1041 = arith.constant 32 : i32
        %mul3A_1042 = arith.muli %mul3A_1041, %add3A_1040 : i32
        %add3A_1043 = arith.addi %add3A, %mul3A_1042 : i32
        %min3A_1044 = arith.constant 407 : i32
        %min3A_1045 = arith.minsi %add3A_1043, %min3A_1044 : i32
        %jit3A_1046 = arith.constant 136 : i32
        %div3A_1047 = arith.divsi %min3A_1045, %jit3A_1046 : i32
        %sign3A_1048 = arith.constant 0 : i32
        %sign3A_1049 = arith.cmpi sgt, %min3A_1045, %sign3A_1048 : i32
        %sign3A_1050 = arith.extui %sign3A_1049 : i1 to i32
        %sign3A_1051 = arith.constant 0 : i32
        %sign3A_1052 = arith.cmpi slt, %min3A_1045, %sign3A_1051 : i32
        %sign3A_1053 = arith.extui %sign3A_1052 : i1 to i32
        %sign3A_1054 = arith.subi %sign3A_1050, %sign3A_1053 : i32
        %sign3A_1055 = arith.constant 0 : i32
        %sign3A_1056 = arith.cmpi sgt, %jit3A_1046, %sign3A_1055 : i32
        %sign3A_1057 = arith.extui %sign3A_1056 : i1 to i32
        %sign3A_1058 = arith.constant 0 : i32
        %sign3A_1059 = arith.cmpi slt, %jit3A_1046, %sign3A_1058 : i32
        %sign3A_1060 = arith.extui %sign3A_1059 : i1 to i32
        %sign3A_1061 = arith.subi %sign3A_1057, %sign3A_1060 : i32
        %ne3A_1062 = arith.cmpi ne, %sign3A_1054, %sign3A_1061 : i32
        %rem3A_1063 = arith.remsi %min3A_1045, %jit3A_1046 : i32
        %ne3A_1064 = arith.constant 0 : i32
        %ne3A_1065 = arith.cmpi ne, %rem3A_1063, %ne3A_1064 : i32
        %and3A_1066 = arith.andi %ne3A_1062, %ne3A_1065 : i1
        %sub3A_1067 = arith.constant 1 : i32
        %sub3A_1068 = arith.subi %div3A_1047, %sub3A_1067 : i32
        %select_n3A_1069 = arith.select %and3A_1066, %sub3A_1068, %div3A_1047 : i32
        %jit3A_1070 = arith.constant 136 : i32
        %eq3A_1071 = arith.constant 0 : i32
        %eq3A_1072 = arith.cmpi eq, %jit3A_1070, %eq3A_1071 : i32
        %jit3A_1073 = arith.constant 1 : i32
        %select_n3A_1074 = arith.select %eq3A_1072, %jit3A_1073, %jit3A_1070 : i32
        %rem3A_1075 = arith.remsi %min3A_1045, %select_n3A_1074 : i32
        %ne3A_1076 = arith.constant 0 : i32
        %ne3A_1077 = arith.cmpi ne, %rem3A_1075, %ne3A_1076 : i32
        %lt3A_1078 = arith.constant 0 : i32
        %lt3A_1079 = arith.cmpi slt, %rem3A_1075, %lt3A_1078 : i32
        %lt3A_1080 = arith.constant 0 : i32
        %lt3A_1081 = arith.cmpi slt, %select_n3A_1074, %lt3A_1080 : i32
        %ne3A_1082 = arith.xori %lt3A_1079, %lt3A_1081 : i1
        %and3A_1083 = arith.andi %ne3A_1082, %ne3A_1077 : i1
        %add3A_1084 = arith.addi %rem3A_1075, %select_n3A_1074 : i32
        %select_n3A_1085 = arith.select %and3A_1083, %add3A_1084, %rem3A_1075 : i32
        %jit3A_1086 = arith.constant 2 : i32
        %div3A_1087 = arith.divsi %select_n3A_1085, %jit3A_1086 : i32
        %sign3A_1088 = arith.constant 0 : i32
        %sign3A_1089 = arith.cmpi sgt, %select_n3A_1085, %sign3A_1088 : i32
        %sign3A_1090 = arith.extui %sign3A_1089 : i1 to i32
        %sign3A_1091 = arith.constant 0 : i32
        %sign3A_1092 = arith.cmpi slt, %select_n3A_1085, %sign3A_1091 : i32
        %sign3A_1093 = arith.extui %sign3A_1092 : i1 to i32
        %sign3A_1094 = arith.subi %sign3A_1090, %sign3A_1093 : i32
        %sign3A_1095 = arith.constant 0 : i32
        %sign3A_1096 = arith.cmpi sgt, %jit3A_1086, %sign3A_1095 : i32
        %sign3A_1097 = arith.extui %sign3A_1096 : i1 to i32
        %sign3A_1098 = arith.constant 0 : i32
        %sign3A_1099 = arith.cmpi slt, %jit3A_1086, %sign3A_1098 : i32
        %sign3A_1100 = arith.extui %sign3A_1099 : i1 to i32
        %sign3A_1101 = arith.subi %sign3A_1097, %sign3A_1100 : i32
        %ne3A_1102 = arith.cmpi ne, %sign3A_1094, %sign3A_1101 : i32
        %rem3A_1103 = arith.remsi %select_n3A_1085, %jit3A_1086 : i32
        %ne3A_1104 = arith.constant 0 : i32
        %ne3A_1105 = arith.cmpi ne, %rem3A_1103, %ne3A_1104 : i32
        %and3A_1106 = arith.andi %ne3A_1102, %ne3A_1105 : i1
        %sub3A_1107 = arith.constant 1 : i32
        %sub3A_1108 = arith.subi %div3A_1087, %sub3A_1107 : i32
        %select_n3A_1109 = arith.select %and3A_1106, %sub3A_1108, %div3A_1087 : i32
        %jit3A_1110 = arith.constant 2 : i32
        %eq3A_1111 = arith.constant 0 : i32
        %eq3A_1112 = arith.cmpi eq, %jit3A_1110, %eq3A_1111 : i32
        %jit3A_1113 = arith.constant 1 : i32
        %select_n3A_1114 = arith.select %eq3A_1112, %jit3A_1113, %jit3A_1110 : i32
        %rem3A_1115 = arith.remsi %select_n3A_1085, %select_n3A_1114 : i32
        %ne3A_1116 = arith.constant 0 : i32
        %ne3A_1117 = arith.cmpi ne, %rem3A_1115, %ne3A_1116 : i32
        %lt3A_1118 = arith.constant 0 : i32
        %lt3A_1119 = arith.cmpi slt, %rem3A_1115, %lt3A_1118 : i32
        %lt3A_1120 = arith.constant 0 : i32
        %lt3A_1121 = arith.cmpi slt, %select_n3A_1114, %lt3A_1120 : i32
        %ne3A_1122 = arith.xori %lt3A_1119, %lt3A_1121 : i1
        %and3A_1123 = arith.andi %ne3A_1122, %ne3A_1117 : i1
        %add3A_1124 = arith.addi %rem3A_1115, %select_n3A_1114 : i32
        %select_n3A_1125 = arith.select %and3A_1123, %add3A_1124, %rem3A_1115 : i32
        %mul3A_1126 = arith.constant 8 : i32
        %mul3A_1127 = arith.muli %select_n3A_1109, %mul3A_1126 : i32
        %multiple_of3A_1128 = tpu.assume_multiple %mul3A_1127, 8 : i32
        %mul3A_1129 = arith.constant 4096 : i32
        %mul3A_1130 = arith.muli %select_n3A_1125, %mul3A_1129 : i32
        %dma_start3A_1131 = arith.constant 1 : i32
        %dma_start3A_1132 = arith.constant 0 : i32
        %dma_start3A_1133 = arith.constant 0 : i32
        %dma_start3A_1134 = tpu.memref_slice %arg4[%dma_start3A_1131, %dma_start3A_1132, %dma_start3A_1133] : memref<2x8x4096xf32, #tpu.memory_space<vmem>> -> memref<1x8x4096xf32, #tpu.memory_space<vmem>>
        %dma_start3A_1135 = tpu.memref_squeeze %dma_start3A_1134 : memref<1x8x4096xf32, #tpu.memory_space<vmem>> -> memref<8x4096xf32, #tpu.memory_space<vmem>>
        %dma_start3A_1136 = tpu.memref_slice %arg2[%select_n3A_1069, %multiple_of3A_1128, %mul3A_1130] : memref<3x543x8192xf32, #tpu.memory_space<hbm>> -> memref<1x8x4096xf32, #tpu.memory_space<hbm>>
        %dma_start3A_1137 = tpu.memref_squeeze %dma_start3A_1136 : memref<1x8x4096xf32, #tpu.memory_space<hbm>> -> memref<8x4096xf32, #tpu.memory_space<hbm>>
        %dma_start3A_1138 = arith.constant 0 : i32
        %dma_start3A_1139 = arith.constant 0 : i32
        %dma_start3A_1140 = tpu.memref_slice %arg4[%dma_start3A_1131, %dma_start3A_1138, %dma_start3A_1139] : memref<2x8x4096xf32, #tpu.memory_space<vmem>> -> memref<1x8x4096xf32, #tpu.memory_space<vmem>>
        %dma_start3A_1141 = tpu.memref_squeeze %dma_start3A_1140 : memref<1x8x4096xf32, #tpu.memory_space<vmem>> -> memref<8x4096xf32, #tpu.memory_space<vmem>>
        %dma_start3A_1142 = tpu.memref_slice %arg2[%select_n3A_1069, %multiple_of3A_1128, %mul3A_1130] : memref<3x543x8192xf32, #tpu.memory_space<hbm>> -> memref<1x8x4096xf32, #tpu.memory_space<hbm>>
        %dma_start3A_1143 = tpu.memref_squeeze %dma_start3A_1142 : memref<1x8x4096xf32, #tpu.memory_space<hbm>> -> memref<8x4096xf32, #tpu.memory_space<hbm>>
        tpu.enqueue_dma source(%dma_start3A_1143 : memref<8x4096xf32, #tpu.memory_space<hbm>>) target(%dma_start3A_1141 : memref<8x4096xf32, #tpu.memory_space<vmem>>) target_semaphore(%arg6 : memref<!tpu.dma_semaphore, #tpu.memory_space<semaphore_mem>>)
      } else {
      }
      %scan3A_1038 = arith.constant 0 : i32
      scf.yield %scan3A_1038 : i32
    }
    %scan3A_197 = arith.constant 7 : i32
    %add3A_198 = arith.constant 384 : i32
    %add3A_199 = arith.addi %add3A, %add3A_198 : i32
    %min3A_200 = arith.constant 407 : i32
    %min3A_201 = arith.minsi %add3A_199, %min3A_200 : i32
    %jit3A_202 = arith.constant 136 : i32
    %div3A_203 = arith.divsi %min3A_201, %jit3A_202 : i32
    %sign3A_204 = arith.constant 0 : i32
    %sign3A_205 = arith.cmpi sgt, %min3A_201, %sign3A_204 : i32
    %sign3A_206 = arith.extui %sign3A_205 : i1 to i32
    %sign3A_207 = arith.constant 0 : i32
    %sign3A_208 = arith.cmpi slt, %min3A_201, %sign3A_207 : i32
    %sign3A_209 = arith.extui %sign3A_208 : i1 to i32
    %sign3A_210 = arith.subi %sign3A_206, %sign3A_209 : i32
    %sign3A_211 = arith.constant 0 : i32
    %sign3A_212 = arith.cmpi sgt, %jit3A_202, %sign3A_211 : i32
    %sign3A_213 = arith.extui %sign3A_212 : i1 to i32
    %sign3A_214 = arith.constant 0 : i32
    %sign3A_215 = arith.cmpi slt, %jit3A_202, %sign3A_214 : i32
    %sign3A_216 = arith.extui %sign3A_215 : i1 to i32
    %sign3A_217 = arith.subi %sign3A_213, %sign3A_216 : i32
    %ne3A_218 = arith.cmpi ne, %sign3A_210, %sign3A_217 : i32
    %rem3A_219 = arith.remsi %min3A_201, %jit3A_202 : i32
    %ne3A_220 = arith.constant 0 : i32
    %ne3A_221 = arith.cmpi ne, %rem3A_219, %ne3A_220 : i32
    %and3A_222 = arith.andi %ne3A_218, %ne3A_221 : i1
    %sub3A_223 = arith.constant 1 : i32
    %sub3A_224 = arith.subi %div3A_203, %sub3A_223 : i32
    %select_n3A_225 = arith.select %and3A_222, %sub3A_224, %div3A_203 : i32
    %jit3A_226 = arith.constant 136 : i32
    %eq3A_227 = arith.constant 0 : i32
    %eq3A_228 = arith.cmpi eq, %jit3A_226, %eq3A_227 : i32
    %jit3A_229 = arith.constant 1 : i32
    %select_n3A_230 = arith.select %eq3A_228, %jit3A_229, %jit3A_226 : i32
    %rem3A_231 = arith.remsi %min3A_201, %select_n3A_230 : i32
    %ne3A_232 = arith.constant 0 : i32
    %ne3A_233 = arith.cmpi ne, %rem3A_231, %ne3A_232 : i32
    %lt3A_234 = arith.constant 0 : i32
    %lt3A_235 = arith.cmpi slt, %rem3A_231, %lt3A_234 : i32
    %lt3A_236 = arith.constant 0 : i32
    %lt3A_237 = arith.cmpi slt, %select_n3A_230, %lt3A_236 : i32
    %ne3A_238 = arith.xori %lt3A_235, %lt3A_237 : i1
    %and3A_239 = arith.andi %ne3A_238, %ne3A_233 : i1
    %add3A_240 = arith.addi %rem3A_231, %select_n3A_230 : i32
    %select_n3A_241 = arith.select %and3A_239, %add3A_240, %rem3A_231 : i32
    %jit3A_242 = arith.constant 2 : i32
    %div3A_243 = arith.divsi %select_n3A_241, %jit3A_242 : i32
    %sign3A_244 = arith.constant 0 : i32
    %sign3A_245 = arith.cmpi sgt, %select_n3A_241, %sign3A_244 : i32
    %sign3A_246 = arith.extui %sign3A_245 : i1 to i32
    %sign3A_247 = arith.constant 0 : i32
    %sign3A_248 = arith.cmpi slt, %select_n3A_241, %sign3A_247 : i32
    %sign3A_249 = arith.extui %sign3A_248 : i1 to i32
    %sign3A_250 = arith.subi %sign3A_246, %sign3A_249 : i32
    %sign3A_251 = arith.constant 0 : i32
    %sign3A_252 = arith.cmpi sgt, %jit3A_242, %sign3A_251 : i32
    %sign3A_253 = arith.extui %sign3A_252 : i1 to i32
    %sign3A_254 = arith.constant 0 : i32
    %sign3A_255 = arith.cmpi slt, %jit3A_242, %sign3A_254 : i32
    %sign3A_256 = arith.extui %sign3A_255 : i1 to i32
    %sign3A_257 = arith.subi %sign3A_253, %sign3A_256 : i32
    %ne3A_258 = arith.cmpi ne, %sign3A_250, %sign3A_257 : i32
    %rem3A_259 = arith.remsi %select_n3A_241, %jit3A_242 : i32
    %ne3A_260 = arith.constant 0 : i32
    %ne3A_261 = arith.cmpi ne, %rem3A_259, %ne3A_260 : i32
    %and3A_262 = arith.andi %ne3A_258, %ne3A_261 : i1
    %sub3A_263 = arith.constant 1 : i32
    %sub3A_264 = arith.subi %div3A_243, %sub3A_263 : i32
    %select_n3A_265 = arith.select %and3A_262, %sub3A_264, %div3A_243 : i32
    %jit3A_266 = arith.constant 2 : i32
    %eq3A_267 = arith.constant 0 : i32
    %eq3A_268 = arith.cmpi eq, %jit3A_266, %eq3A_267 : i32
    %jit3A_269 = arith.constant 1 : i32
    %select_n3A_270 = arith.select %eq3A_268, %jit3A_269, %jit3A_266 : i32
    %rem3A_271 = arith.remsi %select_n3A_241, %select_n3A_270 : i32
    %ne3A_272 = arith.constant 0 : i32
    %ne3A_273 = arith.cmpi ne, %rem3A_271, %ne3A_272 : i32
    %lt3A_274 = arith.constant 0 : i32
    %lt3A_275 = arith.cmpi slt, %rem3A_271, %lt3A_274 : i32
    %lt3A_276 = arith.constant 0 : i32
    %lt3A_277 = arith.cmpi slt, %select_n3A_270, %lt3A_276 : i32
    %ne3A_278 = arith.xori %lt3A_275, %lt3A_277 : i1
    %and3A_279 = arith.andi %ne3A_278, %ne3A_273 : i1
    %add3A_280 = arith.addi %rem3A_271, %select_n3A_270 : i32
    %select_n3A_281 = arith.select %and3A_279, %add3A_280, %rem3A_271 : i32
    %mul3A_282 = arith.constant 8 : i32
    %mul3A_283 = arith.muli %select_n3A_265, %mul3A_282 : i32
    %multiple_of3A_284 = tpu.assume_multiple %mul3A_283, 8 : i32
    %mul3A_285 = arith.constant 512 : i32
    %mul3A_286 = arith.muli %select_n3A_281, %mul3A_285 : i32
    %dma_wait3A = arith.constant 0 : i32
    %dma_wait3A_287 = arith.constant 0 : i32
    %dma_wait3A_288 = arith.constant 0 : i32
    %dma_wait3A_289 = tpu.memref_slice %arg5[%dma_wait3A, %dma_wait3A_287, %dma_wait3A_288] : memref<2x8x512xf32, #tpu.memory_space<vmem>> -> memref<1x8x512xf32, #tpu.memory_space<vmem>>
    %dma_wait3A_290 = tpu.memref_squeeze %dma_wait3A_289 : memref<1x8x512xf32, #tpu.memory_space<vmem>> -> memref<8x512xf32, #tpu.memory_space<vmem>>
    %dma_wait3A_291 = tpu.memref_slice %arg3[%select_n3A_225, %multiple_of3A_284, %mul3A_286] : memref<3x543x1024xf32, #tpu.memory_space<hbm>> -> memref<1x8x512xf32, #tpu.memory_space<hbm>>
    %dma_wait3A_292 = tpu.memref_squeeze %dma_wait3A_291 : memref<1x8x512xf32, #tpu.memory_space<hbm>> -> memref<8x512xf32, #tpu.memory_space<hbm>>
    %dma_wait3A_293 = tpu.memref_slice %arg3[%select_n3A_225, %multiple_of3A_284, %mul3A_286] : memref<3x543x1024xf32, #tpu.memory_space<hbm>> -> memref<1x8x512xf32, #tpu.memory_space<hbm>>
    %dma_wait3A_294 = tpu.memref_squeeze %dma_wait3A_293 : memref<1x8x512xf32, #tpu.memory_space<hbm>> -> memref<8x512xf32, #tpu.memory_space<hbm>>
    %dma_wait3A_295 = arith.constant 0 : i32
    %dma_wait3A_296 = arith.constant 0 : i32
    %dma_wait3A_297 = tpu.memref_slice %arg5[%dma_wait3A, %dma_wait3A_295, %dma_wait3A_296] : memref<2x8x512xf32, #tpu.memory_space<vmem>> -> memref<1x8x512xf32, #tpu.memory_space<vmem>>
    %dma_wait3A_298 = tpu.memref_squeeze %dma_wait3A_297 : memref<1x8x512xf32, #tpu.memory_space<vmem>> -> memref<8x512xf32, #tpu.memory_space<vmem>>
    tpu.wait_dma2 semaphore(%arg7 : memref<!tpu.dma_semaphore, #tpu.memory_space<semaphore_mem>>) src(%dma_wait3A_298 : memref<8x512xf32, #tpu.memory_space<vmem>>) dst(%dma_wait3A_294 : memref<8x512xf32, #tpu.memory_space<hbm>>)
    %add3A_299 = arith.constant 416 : i32
    %add3A_300 = arith.addi %add3A, %add3A_299 : i32
    %min3A_301 = arith.constant 407 : i32
    %min3A_302 = arith.minsi %add3A_300, %min3A_301 : i32
    %jit3A_303 = arith.constant 136 : i32
    %div3A_304 = arith.divsi %min3A_302, %jit3A_303 : i32
    %sign3A_305 = arith.constant 0 : i32
    %sign3A_306 = arith.cmpi sgt, %min3A_302, %sign3A_305 : i32
    %sign3A_307 = arith.extui %sign3A_306 : i1 to i32
    %sign3A_308 = arith.constant 0 : i32
    %sign3A_309 = arith.cmpi slt, %min3A_302, %sign3A_308 : i32
    %sign3A_310 = arith.extui %sign3A_309 : i1 to i32
    %sign3A_311 = arith.subi %sign3A_307, %sign3A_310 : i32
    %sign3A_312 = arith.constant 0 : i32
    %sign3A_313 = arith.cmpi sgt, %jit3A_303, %sign3A_312 : i32
    %sign3A_314 = arith.extui %sign3A_313 : i1 to i32
    %sign3A_315 = arith.constant 0 : i32
    %sign3A_316 = arith.cmpi slt, %jit3A_303, %sign3A_315 : i32
    %sign3A_317 = arith.extui %sign3A_316 : i1 to i32
    %sign3A_318 = arith.subi %sign3A_314, %sign3A_317 : i32
    %ne3A_319 = arith.cmpi ne, %sign3A_311, %sign3A_318 : i32
    %rem3A_320 = arith.remsi %min3A_302, %jit3A_303 : i32
    %ne3A_321 = arith.constant 0 : i32
    %ne3A_322 = arith.cmpi ne, %rem3A_320, %ne3A_321 : i32
    %and3A_323 = arith.andi %ne3A_319, %ne3A_322 : i1
    %sub3A_324 = arith.constant 1 : i32
    %sub3A_325 = arith.subi %div3A_304, %sub3A_324 : i32
    %select_n3A_326 = arith.select %and3A_323, %sub3A_325, %div3A_304 : i32
    %jit3A_327 = arith.constant 136 : i32
    %eq3A_328 = arith.constant 0 : i32
    %eq3A_329 = arith.cmpi eq, %jit3A_327, %eq3A_328 : i32
    %jit3A_330 = arith.constant 1 : i32
    %select_n3A_331 = arith.select %eq3A_329, %jit3A_330, %jit3A_327 : i32
    %rem3A_332 = arith.remsi %min3A_302, %select_n3A_331 : i32
    %ne3A_333 = arith.constant 0 : i32
    %ne3A_334 = arith.cmpi ne, %rem3A_332, %ne3A_333 : i32
    %lt3A_335 = arith.constant 0 : i32
    %lt3A_336 = arith.cmpi slt, %rem3A_332, %lt3A_335 : i32
    %lt3A_337 = arith.constant 0 : i32
    %lt3A_338 = arith.cmpi slt, %select_n3A_331, %lt3A_337 : i32
    %ne3A_339 = arith.xori %lt3A_336, %lt3A_338 : i1
    %and3A_340 = arith.andi %ne3A_339, %ne3A_334 : i1
    %add3A_341 = arith.addi %rem3A_332, %select_n3A_331 : i32
    %select_n3A_342 = arith.select %and3A_340, %add3A_341, %rem3A_332 : i32
    %jit3A_343 = arith.constant 2 : i32
    %div3A_344 = arith.divsi %select_n3A_342, %jit3A_343 : i32
    %sign3A_345 = arith.constant 0 : i32
    %sign3A_346 = arith.cmpi sgt, %select_n3A_342, %sign3A_345 : i32
    %sign3A_347 = arith.extui %sign3A_346 : i1 to i32
    %sign3A_348 = arith.constant 0 : i32
    %sign3A_349 = arith.cmpi slt, %select_n3A_342, %sign3A_348 : i32
    %sign3A_350 = arith.extui %sign3A_349 : i1 to i32
    %sign3A_351 = arith.subi %sign3A_347, %sign3A_350 : i32
    %sign3A_352 = arith.constant 0 : i32
    %sign3A_353 = arith.cmpi sgt, %jit3A_343, %sign3A_352 : i32
    %sign3A_354 = arith.extui %sign3A_353 : i1 to i32
    %sign3A_355 = arith.constant 0 : i32
    %sign3A_356 = arith.cmpi slt, %jit3A_343, %sign3A_355 : i32
    %sign3A_357 = arith.extui %sign3A_356 : i1 to i32
    %sign3A_358 = arith.subi %sign3A_354, %sign3A_357 : i32
    %ne3A_359 = arith.cmpi ne, %sign3A_351, %sign3A_358 : i32
    %rem3A_360 = arith.remsi %select_n3A_342, %jit3A_343 : i32
    %ne3A_361 = arith.constant 0 : i32
    %ne3A_362 = arith.cmpi ne, %rem3A_360, %ne3A_361 : i32
    %and3A_363 = arith.andi %ne3A_359, %ne3A_362 : i1
    %sub3A_364 = arith.constant 1 : i32
    %sub3A_365 = arith.subi %div3A_344, %sub3A_364 : i32
    %select_n3A_366 = arith.select %and3A_363, %sub3A_365, %div3A_344 : i32
    %jit3A_367 = arith.constant 2 : i32
    %eq3A_368 = arith.constant 0 : i32
    %eq3A_369 = arith.cmpi eq, %jit3A_367, %eq3A_368 : i32
    %jit3A_370 = arith.constant 1 : i32
    %select_n3A_371 = arith.select %eq3A_369, %jit3A_370, %jit3A_367 : i32
    %rem3A_372 = arith.remsi %select_n3A_342, %select_n3A_371 : i32
    %ne3A_373 = arith.constant 0 : i32
    %ne3A_374 = arith.cmpi ne, %rem3A_372, %ne3A_373 : i32
    %lt3A_375 = arith.constant 0 : i32
    %lt3A_376 = arith.cmpi slt, %rem3A_372, %lt3A_375 : i32
    %lt3A_377 = arith.constant 0 : i32
    %lt3A_378 = arith.cmpi slt, %select_n3A_371, %lt3A_377 : i32
    %ne3A_379 = arith.xori %lt3A_376, %lt3A_378 : i1
    %and3A_380 = arith.andi %ne3A_379, %ne3A_374 : i1
    %add3A_381 = arith.addi %rem3A_372, %select_n3A_371 : i32
    %select_n3A_382 = arith.select %and3A_380, %add3A_381, %rem3A_372 : i32
    %mul3A_383 = arith.constant 8 : i32
    %mul3A_384 = arith.muli %select_n3A_366, %mul3A_383 : i32
    %multiple_of3A_385 = tpu.assume_multiple %mul3A_384, 8 : i32
    %mul3A_386 = arith.constant 512 : i32
    %mul3A_387 = arith.muli %select_n3A_382, %mul3A_386 : i32
    %dma_wait3A_388 = arith.constant 1 : i32
    %dma_wait3A_389 = arith.constant 0 : i32
    %dma_wait3A_390 = arith.constant 0 : i32
    %dma_wait3A_391 = tpu.memref_slice %arg5[%dma_wait3A_388, %dma_wait3A_389, %dma_wait3A_390] : memref<2x8x512xf32, #tpu.memory_space<vmem>> -> memref<1x8x512xf32, #tpu.memory_space<vmem>>
    %dma_wait3A_392 = tpu.memref_squeeze %dma_wait3A_391 : memref<1x8x512xf32, #tpu.memory_space<vmem>> -> memref<8x512xf32, #tpu.memory_space<vmem>>
    %dma_wait3A_393 = tpu.memref_slice %arg3[%select_n3A_326, %multiple_of3A_385, %mul3A_387] : memref<3x543x1024xf32, #tpu.memory_space<hbm>> -> memref<1x8x512xf32, #tpu.memory_space<hbm>>
    %dma_wait3A_394 = tpu.memref_squeeze %dma_wait3A_393 : memref<1x8x512xf32, #tpu.memory_space<hbm>> -> memref<8x512xf32, #tpu.memory_space<hbm>>
    %dma_wait3A_395 = tpu.memref_slice %arg3[%select_n3A_326, %multiple_of3A_385, %mul3A_387] : memref<3x543x1024xf32, #tpu.memory_space<hbm>> -> memref<1x8x512xf32, #tpu.memory_space<hbm>>
    %dma_wait3A_396 = tpu.memref_squeeze %dma_wait3A_395 : memref<1x8x512xf32, #tpu.memory_space<hbm>> -> memref<8x512xf32, #tpu.memory_space<hbm>>
    %dma_wait3A_397 = arith.constant 0 : i32
    %dma_wait3A_398 = arith.constant 0 : i32
    %dma_wait3A_399 = tpu.memref_slice %arg5[%dma_wait3A_388, %dma_wait3A_397, %dma_wait3A_398] : memref<2x8x512xf32, #tpu.memory_space<vmem>> -> memref<1x8x512xf32, #tpu.memory_space<vmem>>
    %dma_wait3A_400 = tpu.memref_squeeze %dma_wait3A_399 : memref<1x8x512xf32, #tpu.memory_space<vmem>> -> memref<8x512xf32, #tpu.memory_space<vmem>>
    tpu.wait_dma2 semaphore(%arg7 : memref<!tpu.dma_semaphore, #tpu.memory_space<semaphore_mem>>) src(%dma_wait3A_400 : memref<8x512xf32, #tpu.memory_space<vmem>>) dst(%dma_wait3A_396 : memref<8x512xf32, #tpu.memory_space<hbm>>)
    return
  }
}

</mosaic_0001>

<sc_bundles>
// kernel: kernel.3.cloned.1.call-start
scs
__scs_entry_jumppad:
0x0: {  	(pc) =	sbr.rel $0x88, $3  }
0x1: {  	(tag) =	ssettag $0x0;
	lr =	simm.s32 $0x1  }
0x2: {  	[smem:$0x3FA0] =	sst lr;
	_ =	strace $0xD0000000  }
0x3: {  	_ = 	snop  }
0x4: {  	_ = 	snop  }
0x5: {  	_ = 	snop  }
0x6: {  	_ = 	snop  }
0x7: {  	_ = 	snop  }
__scs_overlays_trampoline_lowered:
0x8: {  	[smem:$0x3FAF] =	sst s0  }
0x9: {  	[smem:$0x3FB0] =	sst s1  }
0xa: {  	[smem:$0x3FB1] =	sst s2  }
0xb: {  	[smem:$0x3FB2] =	sst s3  }
0xc: {  	[smem:$0x3FB3] =	sst s4  }
0xd: {  	[smem:$0x3FB4] =	sst s5  }
0xe: {  	[smem:$0x3FB5] =	sst s6  }
0xf: {  	[smem:$0x3FB6] =	sst s7  }
0x10: {  	[smem:$0x3FB7] =	sst s8  }
0x11: {  	[smem:$0x3FB8] =	sst s9;
	s0 =	simm.s32 @!p0 $0x0  }
0x12: {  	s1 =	sld [smem:$0x3F9E];
	s0 =	simm.s32 @p0 $0x1  }
0x13: {  	[smem:$0x3FB9] =	sst s0;
	s0 =	simm.s32 @!p1 $0x0  }
0x14: {  	s2 =	sld [smem:$0x3F9D];
	s0 =	simm.s32 @p1 $0x1  }
0x15: {  	[smem:$0x3FBA] =	sst s0;
	s0 =	simm.s32 @!p2 $0x0  }
0x16: {  	s3 =	sld [smem:$0x3FDB];
	s0 =	simm.s32 @p2 $0x1  }
0x17: {  	s4 =	simm.s32 $0x1BF5;
	[smem:$0x3FBC] =	sst s0  }
0x18: {  	s0 =	sld [smem:$0x3F9F];
	_ =	swait.ge [sflag:s4], $0x0  }
0x19: {  	s7 =	sld [smem:$0x3FA0]  }
0x1a: {  	s8 =	sadd.s32 $0xFFFFE003, lr  }
0x1b: {  	s9 =	sadd.s32 $0xFFFFFEF7, lr;
	s5 =	simm.s32 $0xFFFFFFFF;
	p2 =	slt.u32 s8, $0xFFFFF086  }
0x1c: {  	p1 =	slt.u32 s9, $0xF7A;
	s5 =	simm.s32 @!p2 $0x0  }
0x1d: {  	s5 =	simm.s32 @p1 $0x1;
	p0 =	seq.s32 s7, s2  }
0x1e: {  	s7 =	smul.u32 @!p0 $0xF7A, s2;
	p2 =	seq.s32 @!p0 s5, $0x0  }
0x1f: {  	s9 =	smul.u32 $0xF7A, s1;
	s8 =	simm.s32 @!p0 $0x1BF5;
	p2 =	por !p2, p0  }
0x20: {  	[sflag:s8] =	ssyncset.s32 @!p0 $0xFFFFF086;
	s6 =	sadd.s32 @!p0 s3, s7;
	s7 =	simm.s32 @!p0 $0x108  }
0x21: {  	s3 =	sadd.s32 s3, s9;
	s6 =	sadd.s32 @!p0 $0x88, s6;
	s7 =	simm.s32 @p2 $0x1082  }
0x22: {  	[simem:s7], [sflag:s8] =	dma.local @!p0 [hbm:s6], $0xF7A  }
0x23: {  	s9 =	sor.u32 $0xD0000000, s2;
	s6 =	simm.s32 $0x108;
	_ =	swait.ge @!p0 [sflag:s8], $0x0  }
0x24: {  	s3 =	sadd.s32 $0x88, s3;
	s6 =	simm.s32 @!p1 $0x1082;
	[sflag:s4] =	ssyncset.s32 $0xFFFFF086  }
0x25: {  	[simem:s6], [sflag:s4] =	dma.local [hbm:s3], $0xF7A  }
0x26: {  	[smem:$0x3FA0] =	sst s1;
	(tag) =	ssettag s2;
	_ =	strace s9  }
0x27: {  	s1 =	sld [smem:$0x3FB0]  }
0x28: {  	s2 =	sld [smem:$0x3FB1]  }
0x29: {  	s4 =	sld [smem:$0x3FB3]  }
0x2a: {  	p0 =	seq.s32 s5, $0x0;
	s5 =	sld [smem:$0x3FB4]  }
0x2b: {  	s6 =	sld [smem:$0x3FB5]  }
0x2c: {  	s7 =	sld [smem:$0x3FB6]  }
0x2d: {  	s3 =	simm.s32 $0x108;
	s8 =	sld [smem:$0x3FB7]  }
0x2e: {  	s3 =	simm.s32 @!p0 $0x1082;
	s9 =	sld [smem:$0x3FB8]  }
0x2f: {  	lr =	sadd.s32 s0, s3;
	s0 =	sld [smem:$0x3FAF]  }
0x30: {  	s3 =	sld [smem:$0x3FB2]  }
0x31: {  	[smem:$0x3FBB] =	sst s10  }
0x32: {  	s10 =	sld [smem:$0x3FB9];
	_ =	sdelay $0x3  }
0x33: {  	p0 =	seq.s32 s10, $0x1;
	s10 =	sld [smem:$0x3FBB];
	_ =	sdelay $0x3  }
0x34: {  	[smem:$0x3FBB] =	sst s10  }
0x35: {  	s10 =	sld [smem:$0x3FBA];
	_ =	sdelay $0x3  }
0x36: {  	p1 =	seq.s32 s10, $0x1;
	s10 =	sld [smem:$0x3FBB];
	_ =	sdelay $0x3  }
0x37: {  	[smem:$0x3FBB] =	sst s10  }
0x38: {  	s10 =	sld [smem:$0x3FBC]  }
0x39: {  	_ = 	snop;
	(pc) =	sbr.ind lr, $3  }
0x3a: {  	_ = 	snop  }
0x3b: {  	_ = 	snop  }
0x3c: {  	p2 =	seq.s32 s10, $0x1;
	s10 =	sld [smem:$0x3FBB]  }
0x3d: {  	_ =	shalt  }
0x3e: {  	_ =	shalt  }
0x3f: {  	_ =	shalt  }
0x40: {  	_ =	shalt  }
0x41: {  	_ =	shalt  }
0x42: {  	_ =	shalt  }
0x43: {  	_ =	shalt  }
0x44: {  	_ =	shalt  }
0x45: {  	_ =	shalt  }
0x46: {  	_ =	shalt  }
0x47: {  	_ =	shalt  }
0x48: {  	_ =	shalt  }
0x49: {  	_ =	shalt  }
0x4a: {  	_ =	shalt  }
0x4b: {  	_ =	shalt  }
0x4c: {  	_ =	shalt  }
0x4d: {  	_ =	shalt  }
0x4e: {  	_ =	shalt  }
0x4f: {  	_ =	shalt  }
0x50: {  	_ =	shalt  }
0x51: {  	_ =	shalt  }
0x52: {  	_ =	shalt  }
0x53: {  	_ =	shalt  }
0x54: {  	_ =	shalt  }
0x55: {  	_ =	shalt  }
0x56: {  	_ =	shalt  }
0x57: {  	_ =	shalt  }
0x58: {  	_ =	shalt  }
0x59: {  	_ =	shalt  }
0x5a: {  	_ =	shalt  }
0x5b: {  	_ =	shalt  }
0x5c: {  	_ =	shalt  }
0x5d: {  	_ =	shalt  }
0x5e: {  	_ =	shalt  }
0x5f: {  	_ =	shalt  }
0x60: {  	_ =	shalt  }
0x61: {  	_ =	shalt  }
0x62: {  	_ =	shalt  }
0x63: {  	_ =	shalt  }
0x64: {  	_ =	shalt  }
0x65: {  	_ =	shalt  }
0x66: {  	_ =	shalt  }
0x67: {  	_ =	shalt  }
0x68: {  	_ =	shalt  }
0x69: {  	_ =	shalt  }
0x6a: {  	_ =	shalt  }
0x6b: {  	_ =	shalt  }
0x6c: {  	_ =	shalt  }
0x6d: {  	_ =	shalt  }
0x6e: {  	_ =	shalt  }
0x6f: {  	_ =	shalt  }
0x70: {  	_ =	shalt  }
0x71: {  	_ =	shalt  }
0x72: {  	_ =	shalt  }
0x73: {  	_ =	shalt  }
0x74: {  	_ =	shalt  }
0x75: {  	_ =	shalt  }
0x76: {  	_ =	shalt  }
0x77: {  	_ =	shalt  }
0x78: {  	_ =	shalt  }
0x79: {  	_ =	shalt  }
0x7a: {  	_ =	shalt  }
0x7b: {  	_ =	shalt  }
0x7c: {  	_ =	shalt  }
0x7d: {  	_ =	shalt  }
0x7e: {  	_ =	shalt  }
0x7f: {  	_ =	shalt  }
0x80: {  	_ =	shalt  }
0x81: {  	_ =	shalt  }
0x82: {  	_ =	shalt  }
0x83: {  	_ =	shalt  }
0x84: {  	_ =	shalt  }
0x85: {  	_ =	shalt  }
0x86: {  	_ =	shalt  }
0x87: {  	_ =	shalt  }
.Lfunc_end0:
.L_simem_size_0:
called_computation_lowered:
.L_overlay_start_0:
0x88: {  	s2 =	sld [smem:$0x3FD9]  }
0x89: {  	s3 =	sld [smem:$0x3FFE];
	_ =	sdelay $0x1  }
0x8a: {  	s1 =	srdreg.scid  }
0x8b: {  	s0 =	sand.u32 $0x1, s1  }
0x8c: {  	s18 =	sshll.u32 s0, $0xA;
	s2 =	sadd.s32 s3, s2  }
0x8d: {  	s2 =	sadd.s32 s2, s18  }
0x8e: {  	[smem:$0x3FC7] =	sst s2  }
0x8f: {  	_ = 	snop  }
0x90: {  	s2 =	sld [smem:$0x3FC9]  }
0x91: {  	s19 =	sld [smem:$0x3FD0];
	(tm) =	ssettm $0x1  }
0x92: {  	s4 =	sld [smem:$0x3FFB];
	_ =	sdelay $0x3  }
0x93: {  	_ =	strace s4  }
0x94: {  	s4 =	sld [smem:$0x3FFC];
	_ =	sdelay $0x3  }
0x95: {  	_ =	strace s4  }
0x96: {  	s4 =	sld [smem:$0x3FFD];
	_ =	sdelay $0x3  }
0x97: {  	_ =	strace s4  }
0x98: {  	_ =	strace $0x8FFFFFFF  }
0x99: {  	s20 =	sld [smem:$0x3FDB];
	_ =	sdelay $0x1  }
0x9a: {  	s5 =	simm.s32 $_scs_section_size  }
0x9b: {  	s6 =	simm.s32 $_size__tile_overlayer_lowered;
	s7 =	simm.s32 $_tile_overlayer_lowered  }
0x9c: {  	s23 =	simm.s32 $0x1BFF;
	s22 =	sshll.u32 s7, $0x1;
	s4 =	sadd.s32 s5, s20  }
0x9d: {  	s8 =	simm.s32 $0x0;
	s21 =	sshll.u32 s6, $0x1;
	s6 =	sadd.s32 s22, s4  }
0x9e: {  	[timem:s8], [sflag:s23] =	dma.local [hbm:s6], s21  }
0x9f: {  	_ =	swait.ge [sflag:s23], s21  }
0xa0: {  	s5 =	ssub.s32 $0x0, s21;
	[sflag:s23] =	ssyncset.done $0x0  }
0xa1: {  	[sflag:s23] =	ssyncadd.s32 s5;
	_ =	sdelay $0x1  }
0xa2: {  	s24 =	simm.s32 $0x1B8B  }
0xa3: {  	_ =	swait.ge [sflag:s24], $0x1  }
0xa4: {  	[sflag:s24] =	ssyncset.done $0x0  }
0xa5: {  	s25 =	simm.s32 $0x1B8E;
	[sflag:s24] =	ssyncadd.s32 $0xFFFFFFFF  }
0xa6: {  	s26 =	simm.s32 $execute0_lowered;
	[smem:$0x3FD2] =	sst s25  }
0xa7: {  	s5 =	sshll.u32 s26, $0x1;
	_ =	strace $0x80000046;
	[dreg:$0x1] =	wrdreg $0xFFFFFFFF  }
0xa8: {  	s28 =	simm.s32 $_size_execute0_lowered;
	s4 =	sadd.s32 s4, s5;
	[dreg:$0x0] =	wrdreg $0x0  }
0xa9: {  	s5 =	sshll.u32 s28, $0x1;
	[dreg:$0x2] =	wrdreg s4  }
0xaa: {  	[dreg:$0x3] =	wrdreg s5  }
0xab: {  	[dreg:$0x4] =	wrdreg $0xC0  }
0xac: {  	_ =	task [dreg:s8], $0x5FFFF  }
0xad: {  	[dreg:$0x1] =	wrdreg $0xFFFFFFFF  }
0xae: {  	[dreg:$0x0] =	wrdreg $0x60  }
0xaf: {  	[dreg:$0x2] =	wrdreg s2  }
0xb0: {  	[dreg:$0x3] =	wrdreg s19  }
0xb1: {  	[dreg:$0x4] =	wrdreg $0x9  }
0xb2: {  	_ =	task.clear_ibuf [dreg:s8], $0x5FFFF;
	_ =	strace $0x90000046  }
0xb3: {  	s29 =	simm.s32 $0x9;
	_ =	strace $0x80000048  }
0xb4: {  	_ =	swait.ge [sflag:s29], $0x1  }
0xb5: {  	[sflag:s29] =	ssyncadd.s32 $0xFFFFFFFF  }
0xb6: {  	_ =	strace $0x90000048  }
0xb7: {  	_ =	sfence  }
0xb8: {  	s30 =	sld [smem:$0x0];
	_ =	sdelay $0x2  }
0xb9: {  	s31 =	sshll.u32 s1, $0xD;
	s1 =	sshrl.u32 s1, $0x2  }
0xba: {  	s3 =	sand.u32 $0x4000, s31;
	s1 =	sadd.s32 s1, s30  }
0xbb: {  	s0 =	sor.u32 s3, s0;
	s1 =	sshll.u32 s1, $0x11  }
0xbc: {  	s0 =	sor.u32 s1, s0  }
0xbd: {  	s0 =	sadd.s32 $0x8F2B, s0  }
0xbe: {  	[sflag:s0] =	ssyncadd.remote.s32 $0x1  }
0xbf: {  	_ =	sfence.sel $0xFFFF  }
0xc0: {  	[dreg:$0x0] =	wrdreg $0xFFFFFFFF;
	(pc) =	sbr.abs _section_cstart, $3  }
0xc1: {  	[dreg:$0x1] =	wrdreg $0xFFFFFFFF  }
0xc2: {  	_ =	task.clear_ibuf [dreg:s8], $0x2FFFF;
	_ =	strace $0x9FFFFFFF  }
0xc3: {  	(tm) =	ssettm $0x7FFFFFFF  }
tec
execute0_lowered:
.L_overlay_start_1:
0x0: {  	(tag) =	ssettag $0x1  }
0x1: {  	s2 =	rddreg [dreg:$0x0]  }
0x2: {  	s1 =	srdreg.scid;
	s0 =	stileid.u32  }
0x3: {  	s3 =	rddreg [dreg:$0x1];
	s5 =	simm.s32 $0x0;
	s11 =	simm.s32 $0x8000  }
0x4: {  	s12 =	simm.s32 $0x1;
	s13 =	simm.s32 $0x10000;
	s14 =	simm.s32 $0x11000  }
0x5: {  	s15 =	simm.s32 $0x2;
	s1 =	sand.u32 $0x1, s1;
	s4 =	sshll.u32 s0, $0x1  }
.Ltmp0:
0x6: {  	s16 =	simm.s32 $0x0;
	s4 =	sor.u32 s1, s4;
	(pc) =	sbr.rel .LBB2_1-.Ltmp0, $4  }
0x7: {  	v0 =	vlaneseq.u32;
	[smem:$0x7FF] =	sst s5;
	s1 =	ssub.s32 $0x2, s1;
	s6 =	sshll.u32 s4, $0xC  }
0x8: {  	v0 =	vmul.u32 $0x3FFE, v0;
	_ =	strace $0x80000047;
	s7 =	sshrl.u32 s1, $0x1;
	s6 =	sadd.s32 s2, s6  }
0x9: {  	s8 =	sor.u32 $0x40, s4;
	s1 =	ssub.s32 s1, s7;
	s31 =	sadd.s32 $0x20000, s6  }
0xa: {  	s9 =	sor.u32 $0x60, s4;
	v0 =	vadd.s32 $0x3FE, v0;
	s10 =	smax.u32 s1, $0x1;
	[dreg:$0x3] =	wrdreg s31  }
.LBB2_8:
0xb: {  	s16 =	sadd.s32 $0x1, s16  }
0xc: {  	_ =	swait.ge [sflag:s15], $0x1000;
	p0 =	sne.s32 s16, s10  }
.Ltmp1:
0xd: {  	[sflag:s15] =	ssyncset.done $0x0;
	(pc) =	sbr.rel @!p0 .LBB2_9-.Ltmp1, $4  }
0xe: {  	[sflag:s15] =	ssyncadd.s32 $0xFFFFF000  }
0xf: {  	_ =	swait.ge [sflag:s15], $0x1000  }
0x10: {  	[sflag:s15] =	ssyncset.done $0x0  }
0x11: {  	[sflag:s15] =	ssyncadd.s32 $0xFFFFF000  }
.LBB2_1:
0x12: {  	[tilespmem:s5], [sflag:$0x1] =	stream.linear.gather [hbm4b:s6+s5], $0x8000, $0x38;
	[tilespmem:$0x12000] =	vst v63  }
0x13: {  	s0 =	rddreg [dreg:$0x3];
	s17 =	simm.s32 $0x0  }
0x14: {  	[tilespmem:s11], [sflag:$0x1] =	stream.linear.gather [hbm4b:s0+s5], $0x8000, $0x38;
	[tilespmem:$0x12000] =	vst v63  }
.LBB2_2:
0x15: {  	s18 =	sshll.u32 s17, $0x6  }
0x16: {  	s19 =	sor.u32 s4, s18  }
0x17: {  	s1 =	smin.u32 s19, $0x197  }
0x18: {  	s20 =	smulhi.u32 $0x1E1E1E2, s1;
	_ =	sdelay $0x1  }
0x19: {  	s21 =	smul.u32 $0x88, s20;
	_ =	sdelay $0x1  }
0x1a: {  	s21 =	ssub.s32 s1, s21  }
0x1b: {  	s29 =	simm.s32 $0x0;
	s1 =	sand.u32 $0x1, s21  }
0x1c: {  	s22 =	sand.u32 $0x1C0, s29;
	s23 =	sshll.u32 s1, $0x9  }
0x1d: {  	s22 =	sor.u32 s23, s22  }
0x1e: {  	v1 =	vmov s22  }
0x1f: {  	v1 =	vmul.u32 $0x3FFE, v1;
	_ =	sdelay $0x1  }
0x20: {  	v1 =	vbroadcast v1, $0x0;
	_ =	sdelay $0x1  }
0x21: {  	v1 =	vadd.s32 v0, v1  }
0x22: {  	s24 =	simm.s32 $0x10;
	v2 =	vmulhi.u32 $0x2008021, v1  }
0x23: {  	s25 =	simm.s32 $0x0;
	s26 =	sand.u32 $0x1D0, s24;
	s22 =	sshll.u32 s1, $0xC  }
0x24: {  	v3 =	vmov s25;
	s1 =	sor.u32 s23, s26;
	v1 =	vmov s22;
	v2 =	vshrl.u32 v2, $0x4  }
0x25: {  	v3 =	vshll.u32 v3, $0x7;
	v4 =	vmov s1;
	v5 =	vsub.s32 v2, v1  }
0x26: {  	s25 =	simm.s32 $0x20;
	v3 =	vand.u32 $0x380, v3;
	v4 =	vmul.u32 $0x3FFE, v4;
	v5 =	vshll.u32 v5, $0x3  }
0x27: {  	s0 =	sand.u32 $0x1E0, s25;
	v6 =	vand.u32 $0x7F, v2;
	v2 =	vbroadcast v3, $0x0;
	v5 =	vand.u32 $0xFFFFFC00, v5  }
0x28: {  	_ =	swait.ge [sflag:s12], $0x8000;
	s1 =	sor.u32 s23, s0;
	v4 =	vbroadcast v4, $0x0;
	v3 =	vor.u32 v5, v6  }
0x29: {  	p0 =	seq.s32 s17, $0x0;
	[sflag:s12] =	ssyncset.done $0x0;
	v5 =	vmov s1;
	v3 =	vor.u32 v2, v3  }
0x2a: {  	[sflag:s12] =	ssyncadd.s32 $0xFFFF8000;
	v4 =	vadd.s32 v0, v4;
	s1 =	simm.s32 @!p0 $0x2;
	v5 =	vmul.u32 $0x3FFE, v5  }
0x2b: {  	v4 =	vmulhi.u32 $0x2008021, v4;
	_ =	swait.ge @!p0 [sflag:s1], $0x1000  }
0x2c: {  	[sflag:s1] =	ssyncset.done @!p0 $0x0;
	v5 =	vbroadcast v5, $0x0  }
0x2d: {  	v4 =	vshrl.u32 v4, $0x4;
	[sflag:s1] =	ssyncadd.s32 @!p0 $0xFFFFF000  }
0x2e: {  	v6 =	vld.idx.msk [tilespmem:v3+s5+$0x0], $0xffff;
	v3 =	vadd.s32 v0, v5;
	v5 =	vsub.s32 v4, v1  }
0x2f: {  	v3 =	vmulhi.u32 $0x2008021, v3;
	v5 =	vshll.u32 v5, $0x3  }
0x30: {  	s26 =	simm.s32 $0x30;
	v7 =	vand.u32 $0x7F, v4;
	v5 =	vand.u32 $0xFFFFFC00, v5  }
0x31: {  	s28 =	simm.s32 $0x0;
	s7 =	simm.s32 $0x0;
	s30 =	sand.u32 $0x1F0, s26;
	v4 =	vshrl.u32 v3, $0x4;
	v3 =	vor.u32 v5, v7  }
0x32: {  	s31 =	sand.u32 $0xC00, s28;
	s30 =	sor.u32 s23, s30;
	s1 =	sand.u32 $0x3FFFFF80, s7;
	v3 =	vor.u32 v2, v3  }
0x33: {  	v8 =	vmov s30;
	s1 =	sadd.s32 s1, s31  }
0x34: {  	s30 =	sand.u32 $0x40, s29;
	v8 =	vmul.u32 $0x3FFE, v8;
	s29 =	sadd.s32 $0x10000, s1  }
0x35: {  	s1 =	sor.u32 s30, s29;
	v5 =	vsub.s32 v4, v1  }
0x36: {  	s31 =	simm.s32 $0x70;
	s30 =	simm.s32 $0x0;
	[tilespmem:s1+$0x0] =	vst v6;
	v6 =	vshll.u32 v5, $0x3;
	v5 =	vbroadcast v8, $0x0  }
.LBB2_3:
0x37: {  	s1 =	sadd.s32 $0xFFFFFFD0, s31;
	v3 =	vld.idx.msk [tilespmem:v3+s5+$0x0], $0xffff;
	v4 =	vand.u32 $0x7F, v4;
	v6 =	vand.u32 $0xFFFFFC00, v6  }
0x38: {  	s0 =	sand.u32 $0x1C0, s1;
	v4 =	vor.u32 v6, v4;
	v5 =	vadd.s32 v0, v5  }
0x39: {  	s0 =	sor.u32 s23, s0;
	v4 =	vor.u32 v2, v4;
	v5 =	vmulhi.u32 $0x2008021, v5  }
0x3a: {  	v6 =	vmov s0  }
0x3b: {  	s0 =	sand.u32 $0x50, s24;
	v6 =	vmul.u32 $0x3FFE, v6;
	v5 =	vshrl.u32 v5, $0x4  }
0x3c: {  	s0 =	sor.u32 s0, s29;
	v7 =	vsub.s32 v5, v1  }
0x3d: {  	v6 =	vbroadcast v6, $0x0;
	[tilespmem:s0+$0x0] =	vst v3;
	v3 =	vshll.u32 v7, $0x3  }
0x3e: {  	s24 =	sadd.s32 $0xFFFFFFE0, s31;
	v5 =	vand.u32 $0x7F, v5;
	v4 =	vld.idx.msk [tilespmem:v4+s5+$0x0], $0xffff;
	v3 =	vand.u32 $0xFFFFFC00, v3  }
0x3f: {  	s0 =	sand.u32 $0x1D0, s24;
	v6 =	vadd.s32 v0, v6;
	v3 =	vor.u32 v3, v5  }
0x40: {  	s30 =	sadd.s32 $0x4, s30;
	s0 =	sor.u32 s23, s0;
	v5 =	vmulhi.u32 $0x2008021, v6;
	v3 =	vor.u32 v2, v3  }
0x41: {  	s7 =	sshrl.u32 s30, $0x5;
	p1 =	slt.u32 s30, $0xFC;
	v2 =	vmov s0  }
0x42: {  	v6 =	vmov s7;
	s0 =	sand.u32 $0x60, s25;
	v2 =	vmul.u32 $0x3FFE, v2;
	v5 =	vshrl.u32 v5, $0x4  }
0x43: {  	v6 =	vshll.u32 v6, $0x7;
	s0 =	sor.u32 s0, s29;
	v7 =	vsub.s32 v5, v1  }
0x44: {  	v6 =	vand.u32 $0x380, v6;
	v8 =	vbroadcast v2, $0x0;
	v7 =	vshll.u32 v7, $0x3;
	[tilespmem:s0+$0x0] =	vst v4  }
0x45: {  	s25 =	sadd.s32 $0xFFFFFFF0, s31;
	v2 =	vbroadcast v6, $0x0;
	v4 =	vand.u32 $0x7F, v5;
	v5 =	vand.u32 $0xFFFFFC00, v7;
	v3 =	vld.idx.msk [tilespmem:v3+s5+$0x0], $0xffff  }
0x46: {  	s0 =	sand.u32 $0x1E0, s25;
	v4 =	vor.u32 v5, v4;
	v5 =	vadd.s32 v0, v8  }
0x47: {  	s0 =	sor.u32 s23, s0;
	v4 =	vor.u32 v2, v4;
	v5 =	vmulhi.u32 $0x2008021, v5  }
0x48: {  	v6 =	vmov s0  }
0x49: {  	s0 =	sand.u32 $0x70, s26;
	s26 =	smov.u32 s31;
	v6 =	vmul.u32 $0x3FFE, v6;
	v5 =	vshrl.u32 v5, $0x4  }
0x4a: {  	s0 =	sor.u32 s0, s29;
	v7 =	vsub.s32 v5, v1  }
0x4b: {  	v6 =	vbroadcast v6, $0x0;
	v7 =	vshll.u32 v7, $0x3;
	[tilespmem:s0+$0x0] =	vst v3  }
0x4c: {  	s7 =	sand.u32 $0x1F0, s31;
	v3 =	vand.u32 $0x7F, v5;
	v8 =	vld.idx.msk [tilespmem:v4+s5+$0x0], $0xffff;
	v4 =	vand.u32 $0xFFFFFC00, v7  }
0x4d: {  	s28 =	sadd.s32 $0x200, s28;
	s7 =	sor.u32 s23, s7;
	s0 =	sshll.u32 s30, $0x2;
	v3 =	vor.u32 v4, v3;
	v4 =	vadd.s32 v0, v6  }
.Ltmp2:
0x4e: {  	s29 =	sand.u32 $0xC00, s28;
	s0 =	sand.u32 $0x3FFFFF80, s0;
	v3 =	vor.u32 v2, v3;
	v4 =	vmulhi.u32 $0x2008021, v4;
	(pc) =	sbr.rel @p1 .LBB2_3-.Ltmp2, $4  }
0x4f: {  	v5 =	vmov s7;
	s0 =	sadd.s32 s0, s29  }
0x50: {  	s1 =	sand.u32 $0x40, s1;
	v5 =	vmul.u32 $0x3FFE, v5;
	s29 =	sadd.s32 $0x10000, s0;
	v4 =	vshrl.u32 v4, $0x4  }
0x51: {  	s0 =	sor.u32 s1, s29;
	v6 =	vsub.s32 v4, v1  }
0x52: {  	s31 =	sadd.s32 $0x40, s31;
	v5 =	vbroadcast v5, $0x0;
	[tilespmem:s0+$0x0] =	vst v8;
	v6 =	vshll.u32 v6, $0x3  }
0x53: {  	_ =	sdelay $0x2  }
0x54: {  	v4 =	vand.u32 $0x7F, v4;
	v6 =	vand.u32 $0xFFFFFC00, v6;
	v5 =	vadd.s32 v0, v5  }
0x55: {  	v3 =	vld.idx.msk [tilespmem:v3+s5+$0x0], $0xffff;
	v4 =	vor.u32 v6, v4;
	v5 =	vmulhi.u32 $0x2008021, v5  }
0x56: {  	v4 =	vor.u32 v2, v4  }
0x57: {  	v5 =	vshrl.u32 v5, $0x4  }
0x58: {  	s0 =	sand.u32 $0x50, s24;
	v1 =	vsub.s32 v5, v1  }
0x59: {  	s0 =	sor.u32 s0, s29;
	v1 =	vshll.u32 v1, $0x3  }
0x5a: {  	[tilespmem:s0+$0x0] =	vst v3;
	v3 =	vand.u32 $0x7F, v5;
	v1 =	vand.u32 $0xFFFFFC00, v1  }
0x5b: {  	v4 =	vld.idx.msk [tilespmem:v4+s5+$0x0], $0xffff;
	v1 =	vor.u32 v1, v3  }
0x5c: {  	s24 =	sor.u32 $0x20, s19;
	v1 =	vor.u32 v2, v1  }
0x5d: {  	s0 =	smin.u32 s24, $0x197  }
0x5e: {  	s1 =	sand.u32 $0x60, s25;
	s25 =	sand.u32 $0x70, s26;
	s19 =	smulhi.u32 $0x1E1E1E2, s0  }
0x5f: {  	s7 =	smul.u32 $0x88000, s20;
	s26 =	sshll.u32 s21, $0xC;
	s1 =	sor.u32 s1, s29  }
0x60: {  	p1 =	seq.s32 s17, $0x6;
	s20 =	sand.u32 $0xFE000, s26;
	s31 =	smul.u32 $0x88, s19;
	[tilespmem:s1+$0x0] =	vst v4  }
0x61: {  	s23 =	sor.u32 s25, s29;
	s24 =	sadd.s32 s7, s20;
	s7 =	sadd.s32 @!p1 s8, s18;
	v1 =	vld.idx.msk [tilespmem:v1+s5+$0x0], $0xffff  }
0x62: {  	s22 =	sor.u32 s22, s24;
	s7 =	smin.u32 @!p1 s7, $0x197;
	s20 =	ssub.s32 s0, s31  }
0x63: {  	s0 =	smulhi.u32 @!p1 $0x1E1E1E2, s7;
	s21 =	sand.u32 $0x1, s20;
	s1 =	simm.s32 $0x0  }
0x64: {  	s25 =	sshrl.u32 s22, $0x3;
	s22 =	sshll.u32 s21, $0x9;
	s26 =	sand.u32 $0x1C0, s1  }
0x65: {  	s31 =	sadd.s32 s3, s25;
	s24 =	smul.u32 @!p1 $0x88, s0;
	s25 =	sor.u32 s22, s26  }
0x66: {  	[tilespmem:s23+$0x0] =	vst v1;
	v1 =	vmov s25  }
0x67: {  	s7 =	ssub.s32 @!p1 s7, s24;
	v1 =	vmul.u32 $0x3FFE, v1  }
0x68: {  	s7 =	sshll.u32 @!p1 s7, $0xF  }
0x69: {  	s0 =	smul.u32 @!p1 $0x440000, s0;
	s23 =	sand.u32 @!p1 $0x7F0000, s7;
	v1 =	vbroadcast v1, $0x0  }
0x6a: {  	[hbm4b:s31+s5] =	stream.linear.scatter [tilespmem:s13], [sflag:$0x2], $0x1000, $0x38;
	[tilespmem:$0x12000] =	vst v63  }
0x6b: {  	s7 =	sand.u32 @!p1 $0x8000, s7;
	s0 =	sadd.s32 @!p1 s0, s23;
	v1 =	vadd.s32 v0, v1  }
0x6c: {  	s21 =	sshll.u32 s21, $0xC;
	s23 =	simm.s32 $0x10;
	s0 =	sor.u32 @!p1 s7, s0;
	v2 =	vmulhi.u32 $0x2008021, v1  }
0x6d: {  	s26 =	simm.s32 $0x0;
	s24 =	sand.u32 $0x1D0, s23;
	s0 =	sshrl.u32 @!p1 s0, $0x3  }
0x6e: {  	v3 =	vmov s26;
	s25 =	simm.s32 @!p1 $0x0;
	s7 =	sor.u32 s22, s24;
	s0 =	sadd.s32 @!p1 s2, s0;
	v1 =	vmov s21;
	v2 =	vshrl.u32 v2, $0x4  }
0x6f: {  	v3 =	vshll.u32 v3, $0x7;
	v4 =	vmov s7;
	[tilespmem:s25], [sflag:$0x1] =	stream.linear.gather @!p1 [hbm4b:s0+s25], $0x8000, $0x38;
	v5 =	vsub.s32 v2, v1;
	[tilespmem:$0x12000] =	vst v63  }
0x70: {  	v3 =	vand.u32 $0x380, v3;
	v4 =	vmul.u32 $0x3FFE, v4;
	s25 =	simm.s32 $0x20;
	v5 =	vshll.u32 v5, $0x3  }
0x71: {  	s31 =	sand.u32 $0x1E0, s25;
	v6 =	vand.u32 $0x7F, v2;
	v2 =	vbroadcast v3, $0x0;
	v5 =	vand.u32 $0xFFFFFC00, v5  }
0x72: {  	_ =	swait.ge [sflag:s12], $0x8000;
	s0 =	sor.u32 s22, s31;
	v4 =	vbroadcast v4, $0x0;
	v3 =	vor.u32 v5, v6  }
0x73: {  	[sflag:s12] =	ssyncset.done $0x0;
	v5 =	vmov s0;
	v3 =	vor.u32 v2, v3  }
0x74: {  	[sflag:s12] =	ssyncadd.s32 $0xFFFF8000;
	v4 =	vadd.s32 v0, v4;
	s0 =	simm.s32 @!p0 $0x2;
	v5 =	vmul.u32 $0x3FFE, v5  }
0x75: {  	v4 =	vmulhi.u32 $0x2008021, v4;
	_ =	swait.ge @!p0 [sflag:s0], $0x1000  }
0x76: {  	[sflag:s0] =	ssyncset.done @!p0 $0x0;
	v5 =	vbroadcast v5, $0x0  }
0x77: {  	v4 =	vshrl.u32 v4, $0x4;
	[sflag:s0] =	ssyncadd.s32 @!p0 $0xFFFFF000  }
0x78: {  	v6 =	vld.idx.msk [tilespmem:v3+s11+$0x0], $0xffff;
	v3 =	vadd.s32 v0, v5;
	v5 =	vsub.s32 v4, v1  }
0x79: {  	v3 =	vmulhi.u32 $0x2008021, v3;
	v5 =	vshll.u32 v5, $0x3  }
0x7a: {  	s24 =	simm.s32 $0x30;
	v7 =	vand.u32 $0x7F, v4;
	v5 =	vand.u32 $0xFFFFFC00, v5  }
0x7b: {  	s26 =	simm.s32 $0x0;
	s7 =	simm.s32 $0x0;
	s31 =	sand.u32 $0x1F0, s24;
	v4 =	vshrl.u32 v3, $0x4;
	v3 =	vor.u32 v5, v7  }
0x7c: {  	s28 =	sand.u32 $0xC00, s26;
	s0 =	sand.u32 $0x3FFFFF80, s7;
	s7 =	sor.u32 s22, s31;
	v3 =	vor.u32 v2, v3  }
0x7d: {  	s0 =	sadd.s32 s0, s28;
	v8 =	vmov s7  }
0x7e: {  	s1 =	sand.u32 $0x40, s1;
	s28 =	sadd.s32 $0x11000, s0;
	v8 =	vmul.u32 $0x3FFE, v8  }
0x7f: {  	s0 =	sor.u32 s1, s28;
	v5 =	vsub.s32 v4, v1  }
0x80: {  	s30 =	simm.s32 $0x70;
	s29 =	simm.s32 $0x0;
	[tilespmem:s0+$0x0] =	vst v6;
	v6 =	vshll.u32 v5, $0x3;
	v5 =	vbroadcast v8, $0x0  }
.LBB2_5:
0x81: {  	s1 =	sadd.s32 $0xFFFFFFD0, s30;
	v3 =	vld.idx.msk [tilespmem:v3+s11+$0x0], $0xffff;
	v4 =	vand.u32 $0x7F, v4;
	v6 =	vand.u32 $0xFFFFFC00, v6  }
0x82: {  	s0 =	sand.u32 $0x1C0, s1;
	v4 =	vor.u32 v6, v4;
	v5 =	vadd.s32 v0, v5  }
0x83: {  	s0 =	sor.u32 s22, s0;
	v4 =	vor.u32 v2, v4;
	v5 =	vmulhi.u32 $0x2008021, v5  }
0x84: {  	v6 =	vmov s0  }
0x85: {  	s0 =	sand.u32 $0x50, s23;
	v6 =	vmul.u32 $0x3FFE, v6;
	v5 =	vshrl.u32 v5, $0x4  }
0x86: {  	s0 =	sor.u32 s0, s28;
	v7 =	vsub.s32 v5, v1  }
0x87: {  	v6 =	vbroadcast v6, $0x0;
	[tilespmem:s0+$0x0] =	vst v3;
	v3 =	vshll.u32 v7, $0x3  }
0x88: {  	s23 =	sadd.s32 $0xFFFFFFE0, s30;
	v5 =	vand.u32 $0x7F, v5;
	v4 =	vld.idx.msk [tilespmem:v4+s11+$0x0], $0xffff;
	v3 =	vand.u32 $0xFFFFFC00, v3  }
0x89: {  	s0 =	sand.u32 $0x1D0, s23;
	v6 =	vadd.s32 v0, v6;
	v3 =	vor.u32 v3, v5  }
0x8a: {  	s29 =	sadd.s32 $0x4, s29;
	s0 =	sor.u32 s22, s0;
	v5 =	vmulhi.u32 $0x2008021, v6;
	v3 =	vor.u32 v2, v3  }
0x8b: {  	s7 =	sshrl.u32 s29, $0x5;
	p0 =	slt.u32 s29, $0xFC;
	v2 =	vmov s0  }
0x8c: {  	v6 =	vmov s7;
	s0 =	sand.u32 $0x60, s25;
	v2 =	vmul.u32 $0x3FFE, v2;
	v5 =	vshrl.u32 v5, $0x4  }
0x8d: {  	v6 =	vshll.u32 v6, $0x7;
	s0 =	sor.u32 s0, s28;
	v7 =	vsub.s32 v5, v1  }
0x8e: {  	v6 =	vand.u32 $0x380, v6;
	v8 =	vbroadcast v2, $0x0;
	v7 =	vshll.u32 v7, $0x3;
	[tilespmem:s0+$0x0] =	vst v4  }
0x8f: {  	s25 =	sadd.s32 $0xFFFFFFF0, s30;
	v2 =	vbroadcast v6, $0x0;
	v4 =	vand.u32 $0x7F, v5;
	v5 =	vand.u32 $0xFFFFFC00, v7;
	v3 =	vld.idx.msk [tilespmem:v3+s11+$0x0], $0xffff  }
0x90: {  	s0 =	sand.u32 $0x1E0, s25;
	v4 =	vor.u32 v5, v4;
	v5 =	vadd.s32 v0, v8  }
0x91: {  	s0 =	sor.u32 s22, s0;
	v4 =	vor.u32 v2, v4;
	v5 =	vmulhi.u32 $0x2008021, v5  }
0x92: {  	v6 =	vmov s0  }
0x93: {  	s0 =	sand.u32 $0x70, s24;
	s24 =	smov.u32 s30;
	v6 =	vmul.u32 $0x3FFE, v6;
	v5 =	vshrl.u32 v5, $0x4  }
0x94: {  	s0 =	sor.u32 s0, s28;
	v7 =	vsub.s32 v5, v1  }
0x95: {  	v6 =	vbroadcast v6, $0x0;
	v7 =	vshll.u32 v7, $0x3;
	[tilespmem:s0+$0x0] =	vst v3  }
0x96: {  	s7 =	sand.u32 $0x1F0, s30;
	v3 =	vand.u32 $0x7F, v5;
	v8 =	vld.idx.msk [tilespmem:v4+s11+$0x0], $0xffff;
	v4 =	vand.u32 $0xFFFFFC00, v7  }
0x97: {  	s26 =	sadd.s32 $0x200, s26;
	s7 =	sor.u32 s22, s7;
	s0 =	sshll.u32 s29, $0x2;
	v3 =	vor.u32 v4, v3;
	v4 =	vadd.s32 v0, v6  }
.Ltmp3:
0x98: {  	s28 =	sand.u32 $0xC00, s26;
	s0 =	sand.u32 $0x3FFFFF80, s0;
	v3 =	vor.u32 v2, v3;
	v4 =	vmulhi.u32 $0x2008021, v4;
	(pc) =	sbr.rel @p0 .LBB2_5-.Ltmp3, $4  }
0x99: {  	v5 =	vmov s7;
	s0 =	sadd.s32 s0, s28  }
0x9a: {  	s1 =	sand.u32 $0x40, s1;
	v5 =	vmul.u32 $0x3FFE, v5;
	s28 =	sadd.s32 $0x11000, s0;
	v4 =	vshrl.u32 v4, $0x4  }
0x9b: {  	s0 =	sor.u32 s1, s28;
	v6 =	vsub.s32 v4, v1  }
0x9c: {  	s30 =	sadd.s32 $0x40, s30;
	v5 =	vbroadcast v5, $0x0;
	[tilespmem:s0+$0x0] =	vst v8;
	v6 =	vshll.u32 v6, $0x3  }
0x9d: {  	_ =	sdelay $0x2  }
0x9e: {  	v4 =	vand.u32 $0x7F, v4;
	v6 =	vand.u32 $0xFFFFFC00, v6;
	v5 =	vadd.s32 v0, v5  }
0x9f: {  	v3 =	vld.idx.msk [tilespmem:v3+s11+$0x0], $0xffff;
	v4 =	vor.u32 v6, v4;
	v5 =	vmulhi.u32 $0x2008021, v5  }
0xa0: {  	v4 =	vor.u32 v2, v4  }
0xa1: {  	v5 =	vshrl.u32 v5, $0x4  }
0xa2: {  	s0 =	sand.u32 $0x50, s23;
	v1 =	vsub.s32 v5, v1  }
0xa3: {  	s0 =	sor.u32 s0, s28;
	v1 =	vshll.u32 v1, $0x3  }
0xa4: {  	[tilespmem:s0+$0x0] =	vst v3;
	v3 =	vand.u32 $0x7F, v5;
	v1 =	vand.u32 $0xFFFFFC00, v1  }
0xa5: {  	v4 =	vld.idx.msk [tilespmem:v4+s11+$0x0], $0xffff;
	v1 =	vor.u32 v1, v3  }
0xa6: {  	v1 =	vor.u32 v2, v1;
	_ =	sdelay $0x1  }
0xa7: {  	s29 =	sand.u32 $0x60, s25  }
0xa8: {  	s0 =	sor.u32 s29, s28  }
0xa9: {  	[tilespmem:s0+$0x0] =	vst v4  }
0xaa: {  	s30 =	smul.u32 $0x88000, s19;
	s1 =	sshll.u32 s20, $0xC;
	v1 =	vld.idx.msk [tilespmem:v1+s11+$0x0], $0xffff  }
0xab: {  	s1 =	sand.u32 $0xFE000, s1  }
.Ltmp4:
0xac: {  	s0 =	sadd.s32 s30, s1;
	(pc) =	sbr.rel @p1 .LBB2_8-.Ltmp4, $4  }
0xad: {  	s31 =	sand.u32 $0x70, s24;
	s0 =	sor.u32 s21, s0  }
0xae: {  	s1 =	sor.u32 s31, s28;
	s0 =	sshrl.u32 s0, $0x3  }
0xaf: {  	s0 =	sadd.s32 s3, s0;
	[tilespmem:s1+$0x0] =	vst v1  }
0xb0: {  	[hbm4b:s0+s5] =	stream.linear.scatter [tilespmem:s14], [sflag:$0x2], $0x1000, $0x38;
	[tilespmem:$0x12000] =	vst v63  }
0xb1: {  	s0 =	sadd.s32 s9, s18  }
0xb2: {  	s0 =	smin.u32 s0, $0x197  }
0xb3: {  	s1 =	smulhi.u32 $0x1E1E1E2, s0;
	_ =	sdelay $0x1  }
0xb4: {  	s7 =	smul.u32 $0x88, s1;
	_ =	sdelay $0x1  }
0xb5: {  	s0 =	ssub.s32 s0, s7  }
0xb6: {  	s1 =	smul.u32 $0x440000, s1;
	s0 =	sshll.u32 s0, $0xF  }
0xb7: {  	s31 =	sand.u32 $0x7F0000, s0  }
.Ltmp5:
0xb8: {  	s0 =	sand.u32 $0x8000, s0;
	s1 =	sadd.s32 s1, s31;
	(pc) =	sbr.rel .LBB2_2-.Ltmp5, $4  }
0xb9: {  	s0 =	sor.u32 s0, s1  }
0xba: {  	s0 =	sshrl.u32 s0, $0x3  }
0xbb: {  	s17 =	sadd.s32 $0x1, s17;
	s0 =	sadd.s32 s2, s0  }
0xbc: {  	[tilespmem:s11], [sflag:$0x1] =	stream.linear.gather [hbm4b:s0+s5], $0x8000, $0x38;
	[tilespmem:$0x12000] =	vst v63  }
.LBB2_9:
0xbd: {  	_ =	sfence.sel $0x180000  }
0xbe: {  	[bflag:$0x0] =	sbarrier.arrive $0xFFFF  }
0xbf: {  	_ =	strace $0x90000047  }
0xc0: {  	s0 =	stileid.u32;
	[bflag:$0x2] =	sbarrier.arrive $0xFFFF  }
0xc1: {  	p0 =	sne.s32 s0, $0x0;
	s0 =	rddreg [dreg:$0x2]  }
0xc2: {  	s0 =	sadd.s32 @!p0 $0x100000, s0  }
0xc3: {  	[sflag:s0] =	ssyncadd.tile.s32 @!p0 $0x1;
	_ =	shalt  }
.Lfunc_end2:
_tile_overlayer_lowered:
.L_overlay_start_2:
0xc4: {  	(tag) =	ssettag $0x2  }
0xc5: {  	s0 =	rddreg [dreg:$0x0];
	s2 =	stileid.u32  }
0xc6: {  	s1 =	rddreg [dreg:$0x1];
	p0 =	sne.s32 s2, $0x0  }
0xc7: {  	s3 =	rddreg [dreg:$0x2];
	[bflag:$0x3] =	sbarrier.arrive $0xFFFF;
	s2 =	simm.s32 @!p0 $0x1C03  }
0xc8: {  	[timem:s3], [sflag:s2] =	dma.local @!p0 [hbm:s0], s1  }
0xc9: {  	s0 =	simm.s32 @!p0 $0x3  }
0xca: {  	_ =	swait.ge @!p0 [sflag:s0], s1  }
0xcb: {  	s1 =	ssub.s32 @!p0 $0x0, s1;
	[sflag:s0] =	ssyncset.done @!p0 $0x0  }
0xcc: {  	[sflag:s0] =	ssyncadd.s32 @!p0 s1  }
0xcd: {  	[bflag:$0x3] =	sbarrier.arrive $0xFFFF  }
0xce: {  	_ =	shalt  }

</sc_bundles>
